<compile_context>
chip_gen: v7x
topology: tpu7x:2x2x1
jax: 0.10.2.dev20260603
libtpu: 0.0.44.dev20260713+nightly
codegen_flags: <defaults>
</compile_context>

<pallas_src>
import jax
import jax.numpy as jnp
from jax import lax
from jax.experimental import pallas as pl
from jax.experimental.pallas import tpu as pltpu
from jax.experimental.pallas import tpu_sc as plsc

_CHUNK = 32
_ZCHUNK = 32
_ZLAG = 8


def _meta_body(m1_ref, m2_ref, len_ref, mask_ref):
    m1 = m1_ref[...]
    m2 = m2_ref[...]
    len1 = m1.shape[1] - jnp.sum(m1, axis=1)
    len2 = m2.shape[1] - jnp.sum(m2, axis=1)
    total = len1 + len2
    len_ref[...] = jnp.broadcast_to(len1[:, None], len_ref.shape)
    r = lax.broadcasted_iota(jnp.int32, mask_ref.shape, 1)
    mask_ref[...] = (r >= total[:, None]).astype(jnp.int32)


def _copy_pipelined(src_hbm, dst_hbm, b, n_rows, dst_off, buf, isem, osem):
    C = buf.shape[1]
    nfull = n_rows // C

    def start_in(i, p):
        pltpu.async_copy(src_hbm.at[pl.ds(i * C, C), b], buf.at[p],
                         isem.at[p])

    def wait_in(i, p):
        pltpu.make_async_copy(src_hbm.at[pl.ds(i * C, C), b], buf.at[p],
                              isem.at[p]).wait()

    def start_out(i, p):
        pltpu.async_copy(buf.at[p], dst_hbm.at[pl.ds(dst_off + i * C, C), b],
                         osem.at[p])

    def wait_out(i, p):
        pltpu.make_async_copy(buf.at[p],
                              dst_hbm.at[pl.ds(dst_off + i * C, C), b],
                              osem.at[p]).wait()

    @pl.when(nfull > 0)
    def _():
        start_in(0, 0)

        def body(i, carry):
            p = i % 2
            wait_in(i, p)

            @pl.when(i >= 1)
            def _():
                wait_out(i - 1, 1 - p)

            @pl.when(i + 1 < nfull)
            def _():
                start_in(i + 1, 1 - p)

            start_out(i, p)
            return carry

        lax.fori_loop(0, nfull, body, 0)
        wait_out(nfull - 1, (nfull - 1) % 2)

    def tail(i, carry):
        r0 = nfull * C + i
        pltpu.sync_copy(src_hbm.at[r0, b], buf.at[0, 0])
        pltpu.sync_copy(buf.at[0, 0], dst_hbm.at[dst_off + r0, b])
        return carry

    lax.fori_loop(0, n_rows - nfull * C, tail, 0)


def _sc_body(L1, L2, seq1_hbm, seq2_hbm, len_hbm, out_hbm,
             lenv, zbuf, buf, isem, osem, zsem):
    b = lax.axis_index("s")
    role = lax.axis_index("c")
    H = zbuf.shape[1]

    pltpu.sync_copy(len_hbm.at[b], lenv)
    n1 = lenv[...][0]

    @pl.when(role == 0)
    def _():
        _copy_pipelined(seq1_hbm, out_hbm, b, n1, 0, buf, isem, osem)

        def zinit(j, carry):
            row = j // (H // 16)
            col = (j % (H // 16)) * 16
            zbuf[row, pl.ds(col, 16)] = jnp.zeros((16,), jnp.float32)
            return carry

        lax.fori_loop(0, _ZCHUNK * (H // 16), zinit, 0)

        zstart = n1 + L2
        nz = L1 - n1
        nzfull = nz // _ZCHUNK

        def zwait_one():
            pltpu.make_async_copy(
                zbuf, out_hbm.at[pl.ds(zstart, _ZCHUNK), b], zsem).wait()

        def zchunk(i, carry):
            @pl.when(i >= _ZLAG)
            def _():
                zwait_one()

            s0 = zstart + i * _ZCHUNK
            pltpu.async_copy(zbuf, out_hbm.at[pl.ds(s0, _ZCHUNK), b], zsem)
            return carry

        lax.fori_loop(0, nzfull, zchunk, 0)

        def zdrain(i, carry):
            zwait_one()
            return carry

        lax.fori_loop(0, jnp.minimum(nzfull, _ZLAG), zdrain, 0)

        def ztail(i, carry):
            r0 = zstart + nzfull * _ZCHUNK + i
            pltpu.sync_copy(zbuf.at[0], out_hbm.at[r0, b])
            return carry

        lax.fori_loop(0, nz - nzfull * _ZCHUNK, ztail, 0)

    @pl.when(role == 1)
    def _():
        _copy_pipelined(seq2_hbm, out_hbm, b, L2, n1, buf, isem, osem)


def kernel(seq1, mask1, seq2, mask2):
    L1, B, H = seq1.shape
    L2 = seq2.shape[0]
    LT = L1 + L2

    lens16, maski = pl.pallas_call(
        _meta_body,
        out_shape=(jax.ShapeDtypeStruct((B, 16), jnp.int32),
                   jax.ShapeDtypeStruct((B, LT), jnp.int32)),
    )(mask1.astype(jnp.int32), mask2.astype(jnp.int32))

    mesh = plsc.VectorSubcoreMesh(core_axis_name="c", subcore_axis_name="s")
    body = lambda *refs: _sc_body(L1, L2, *refs)
    out = pl.kernel(
        body,
        out_type=jax.ShapeDtypeStruct((LT, B, H), jnp.float32),
        mesh=mesh,
        scratch_types=[
            pltpu.VMEM((16,), jnp.int32),
            pltpu.VMEM((_ZCHUNK, H), jnp.float32),
            pltpu.VMEM((2, _CHUNK, H), jnp.float32),
            pltpu.SemaphoreType.DMA((2,)),
            pltpu.SemaphoreType.DMA((2,)),
            pltpu.SemaphoreType.DMA,
        ],
    )(seq1, seq2, lens16)

    return (out, maski.astype(bool))

# --- scband reference (transcript-rebuilt; emitter-appended) ---
"""Pipeline reference for scband-sequence-geometry-encoder-48962627174577 (READ-ONLY COPY).

The authoritative reference and input builder live on the scoring server;
editing this copy changes nothing except your own understanding.
"""

import jax, jax.numpy as jnp
import numpy as np

L1, L2, B, H = 2048, 2048, 16, 1024


def setup_inputs(seed: int = 0) -> dict:
    key = jax.random.key(seed)
    k1, k2, k3, k4 = jax.random.split(key, 4)
    seq1 = jax.random.normal(k1, (L1, B, H), dtype=jnp.float32)
    seq2 = jax.random.normal(k2, (L2, B, H), dtype=jnp.float32)
    # right-padded masks (pytorch convention: True/1 = padded), sorted ascending -> 0s then 1s
    mask1 = jnp.sort(jax.random.randint(k3, (B, L1), 0, 2), axis=-1).astype(bool)
    mask2 = jnp.sort(jax.random.randint(k4, (B, L2), 0, 2), axis=-1).astype(bool)
    return {"seq1": seq1, "mask1": mask1, "seq2": seq2, "mask2": mask2}


def reference(seq1, mask1, seq2, mask2):
    # Faithful port of concat_padded_sequences (the core forward of SequenceGeometryEncoder):
    # concatenates two right-padded sequences so the result is contiguous + right-padded.
    seq1_length, batch_size, hidden_size = seq1.shape
    seq2_length = seq2.shape[0]
    actual_seq1_lengths = (~mask1).sum(axis=-1)  # (B,)
    actual_seq2_lengths = (~mask2).sum(axis=-1)  # (B,)
    final_lengths = actual_seq1_lengths + actual_seq2_lengths
    max_length = seq1_length + seq2_length
    concatenated_mask = jnp.arange(max_length)[None, :] >= final_lengths[:, None]  # (B, L1+L2)
    concatenated_sequence = jnp.zeros((max_length, batch_size, hidden_size), dtype=seq2.dtype)
    concatenated_sequence = concatenated_sequence.at[:seq1_length, :, :].set(seq1)
    # scatter seq2 rows at per-batch offsets len1[b] along dim 0 (overwrite semantics, like torch.scatter)
    index = jnp.arange(seq2_length)[:, None] + actual_seq1_lengths[None, :]  # (L2, B)
    bidx = jnp.broadcast_to(jnp.arange(batch_size)[None, :], index.shape)    # (L2, B)
    concatenated_sequence = concatenated_sequence.at[index, bidx].set(seq2)
    return (concatenated_sequence, concatenated_mask)

if __name__ == "__main__":
    import jax
    _d = setup_inputs()
    print(jax.jit(kernel)(*tuple(_d.values())))

</pallas_src>

<mosaic_0001>
#map = affine_map<(d0, d1) -> (0, 0, 0)>
#map1 = affine_map<(d0, d1) -> (0, 0)>
module attributes {stable_mosaic.version = 14 : i64} {
  func.func @_lambda_(%arg0: i32, %arg1: i32, %arg2: memref<2048x16x1024xf32, #tpu.memory_space<hbm>>, %arg3: memref<2048x16x1024xf32, #tpu.memory_space<hbm>>, %arg4: memref<16x16xi32, #tpu.memory_space<hbm>>, %arg5: memref<4096x16x1024xf32, #tpu.memory_space<hbm>>, %arg6: memref<16xi32, #tpu.memory_space<vmem>>, %arg7: memref<32x1024xf32, #tpu.memory_space<vmem>>, %arg8: memref<2x32x1024xf32, #tpu.memory_space<vmem>>, %arg9: memref<2x!tpu.dma_semaphore, #tpu.memory_space<semaphore_mem>>, %arg10: memref<2x!tpu.dma_semaphore, #tpu.memory_space<semaphore_mem>>, %arg11: memref<!tpu.dma_semaphore, #tpu.memory_space<semaphore_mem>>) attributes {dimension_semantics = [#tpu.dimension_semantics<core_parallel>, #tpu.dimension_semantics<subcore_parallel>], iteration_bounds = array<i64: 2, 16>, scalar_prefetch = 0 : i64, scratch_operands = 6 : i64, tpu.core_type = #tpu.core_type<sc_vector_subcore>, window_params = [{transform_indices = #map}, {transform_indices = #map}, {transform_indices = #map1}, {transform_indices = #map}]} {
    "tpu.region"() ({
      %run_scoped3A = tpu.sem_alloc : memref<!tpu.dma_semaphore, #tpu.memory_space<semaphore_mem>>
      %dma_start3A = arith.constant 0 : i32
      %dma_start3A_9 = tpu.memref_slice %arg4[%arg1, %dma_start3A] : memref<16x16xi32, #tpu.memory_space<hbm>> -> memref<1x16xi32, #tpu.memory_space<hbm>>
      %dma_start3A_10 = tpu.memref_squeeze %dma_start3A_9 : memref<1x16xi32, #tpu.memory_space<hbm>> -> memref<16xi32, #tpu.memory_space<hbm>>
      %dma_start3A_11 = arith.constant 0 : i32
      %dma_start3A_12 = tpu.memref_slice %arg4[%arg1, %dma_start3A_11] : memref<16x16xi32, #tpu.memory_space<hbm>> -> memref<1x16xi32, #tpu.memory_space<hbm>>
      %dma_start3A_13 = tpu.memref_squeeze %dma_start3A_12 : memref<1x16xi32, #tpu.memory_space<hbm>> -> memref<16xi32, #tpu.memory_space<hbm>>
      tpu.enqueue_dma source(%dma_start3A_13 : memref<16xi32, #tpu.memory_space<hbm>>) target(%arg6 : memref<16xi32, #tpu.memory_space<vmem>>) target_semaphore(%run_scoped3A : memref<!tpu.dma_semaphore, #tpu.memory_space<semaphore_mem>>)
      %dma_wait3A = arith.constant 0 : i32
      %dma_wait3A_14 = tpu.memref_slice %arg4[%arg1, %dma_wait3A] : memref<16x16xi32, #tpu.memory_space<hbm>> -> memref<1x16xi32, #tpu.memory_space<hbm>>
      %dma_wait3A_15 = tpu.memref_squeeze %dma_wait3A_14 : memref<1x16xi32, #tpu.memory_space<hbm>> -> memref<16xi32, #tpu.memory_space<hbm>>
      %dma_wait3A_16 = arith.constant 0 : i32
      %dma_wait3A_17 = tpu.memref_slice %arg4[%arg1, %dma_wait3A_16] : memref<16x16xi32, #tpu.memory_space<hbm>> -> memref<1x16xi32, #tpu.memory_space<hbm>>
      %dma_wait3A_18 = tpu.memref_squeeze %dma_wait3A_17 : memref<1x16xi32, #tpu.memory_space<hbm>> -> memref<16xi32, #tpu.memory_space<hbm>>
      tpu.wait_dma2 semaphore(%run_scoped3A : memref<!tpu.dma_semaphore, #tpu.memory_space<semaphore_mem>>) src(%dma_wait3A_18 : memref<16xi32, #tpu.memory_space<hbm>>) dst(%arg6 : memref<16xi32, #tpu.memory_space<vmem>>)
      tpu.yield
    }) : () -> ()
    %get3A = arith.constant 0 : index
    %get3A_0 = tpu.vector_load %arg6[%get3A] {strides = array<i32>} : memref<16xi32, #tpu.memory_space<vmem>>, vector<16xi32>,
    %get3A_1 = vector.shape_cast %get3A_0 : vector<16xi32> to vector<16xi32>
    %slice3A = vector.extract_strided_slice %get3A_1 {offsets = [0], sizes = [1], strides = [1]} : vector<16xi32> to vector<1xi32>
    %squeeze3A = vector.extract %slice3A[0] : i32 from vector<1xi32>
    %eq3A = arith.constant 0 : i32
    %eq3A_2 = arith.cmpi eq, %arg0, %eq3A : i32
    %convert_element_type3A = arith.extui %eq3A_2 : i1 to i32
    %cond3A = arith.constant 0 : i32
    %cond3A_3 = arith.cmpi ne, %convert_element_type3A, %cond3A : i32
    scf.if %cond3A_3 {
      %jit3A = arith.constant 32 : i32
      %div3A = arith.divsi %squeeze3A, %jit3A : i32
      %sign3A = arith.constant 0 : i32
      %sign3A_9 = arith.cmpi sgt, %squeeze3A, %sign3A : i32
      %sign3A_10 = arith.extui %sign3A_9 : i1 to i32
      %sign3A_11 = arith.constant 0 : i32
      %sign3A_12 = arith.cmpi slt, %squeeze3A, %sign3A_11 : i32
      %sign3A_13 = arith.extui %sign3A_12 : i1 to i32
      %sign3A_14 = arith.subi %sign3A_10, %sign3A_13 : i32
      %sign3A_15 = arith.constant 0 : i32
      %sign3A_16 = arith.cmpi sgt, %jit3A, %sign3A_15 : i32
      %sign3A_17 = arith.extui %sign3A_16 : i1 to i32
      %sign3A_18 = arith.constant 0 : i32
      %sign3A_19 = arith.cmpi slt, %jit3A, %sign3A_18 : i32
      %sign3A_20 = arith.extui %sign3A_19 : i1 to i32
      %sign3A_21 = arith.subi %sign3A_17, %sign3A_20 : i32
      %ne3A = arith.cmpi ne, %sign3A_14, %sign3A_21 : i32
      %rem3A = arith.remsi %squeeze3A, %jit3A : i32
      %ne3A_22 = arith.constant 0 : i32
      %ne3A_23 = arith.cmpi ne, %rem3A, %ne3A_22 : i32
      %and3A = arith.andi %ne3A, %ne3A_23 : i1
      %sub3A = arith.constant 1 : i32
      %sub3A_24 = arith.subi %div3A, %sub3A : i32
      %select_n3A = arith.select %and3A, %sub3A_24, %div3A : i32
      %gt3A = arith.constant 0 : i32
      %gt3A_25 = arith.cmpi sgt, %select_n3A, %gt3A : i32
      %convert_element_type3A_26 = arith.extui %gt3A_25 : i1 to i32
      %cond3A_27 = arith.constant 0 : i32
      %cond3A_28 = arith.cmpi ne, %convert_element_type3A_26, %cond3A_27 : i32
      scf.if %cond3A_28 {
        %dma_start3A = arith.constant 0 : i32
        %dma_start3A_106 = arith.constant 0 : i32
        %dma_start3A_107 = arith.constant 0 : i32
        %dma_start3A_108 = arith.constant 0 : i32
        %dma_start3A_109 = tpu.memref_slice %arg8[%dma_start3A, %dma_start3A_107, %dma_start3A_108] : memref<2x32x1024xf32, #tpu.memory_space<vmem>> -> memref<1x32x1024xf32, #tpu.memory_space<vmem>>
        %dma_start3A_110 = tpu.memref_squeeze %dma_start3A_109 : memref<1x32x1024xf32, #tpu.memory_space<vmem>> -> memref<32x1024xf32, #tpu.memory_space<vmem>>
        %dma_start3A_111 = arith.constant 0 : i32
        %dma_start3A_112 = arith.constant 0 : i32
        %dma_start3A_113 = tpu.memref_slice %arg2[%dma_start3A_111, %arg1, %dma_start3A_112] : memref<2048x16x1024xf32, #tpu.memory_space<hbm>> -> memref<32x1x1024xf32, #tpu.memory_space<hbm>>
        %dma_start3A_114 = tpu.memref_squeeze %dma_start3A_113 : memref<32x1x1024xf32, #tpu.memory_space<hbm>> -> memref<32x1024xf32, #tpu.memory_space<hbm>>
        %dma_start3A_115 = tpu.memref_slice %arg9[%dma_start3A_106] : memref<2x!tpu.dma_semaphore, #tpu.memory_space<semaphore_mem>> -> memref<1x!tpu.dma_semaphore, #tpu.memory_space<semaphore_mem>>
        %dma_start3A_116 = tpu.memref_squeeze %dma_start3A_115 : memref<1x!tpu.dma_semaphore, #tpu.memory_space<semaphore_mem>> -> memref<!tpu.dma_semaphore, #tpu.memory_space<semaphore_mem>>
        %dma_start3A_117 = arith.constant 0 : i32
        %dma_start3A_118 = arith.constant 0 : i32
        %dma_start3A_119 = tpu.memref_slice %arg8[%dma_start3A, %dma_start3A_117, %dma_start3A_118] : memref<2x32x1024xf32, #tpu.memory_space<vmem>> -> memref<1x32x1024xf32, #tpu.memory_space<vmem>>
        %dma_start3A_120 = tpu.memref_squeeze %dma_start3A_119 : memref<1x32x1024xf32, #tpu.memory_space<vmem>> -> memref<32x1024xf32, #tpu.memory_space<vmem>>
        %dma_start3A_121 = arith.constant 0 : i32
        %dma_start3A_122 = arith.constant 0 : i32
        %dma_start3A_123 = tpu.memref_slice %arg2[%dma_start3A_121, %arg1, %dma_start3A_122] : memref<2048x16x1024xf32, #tpu.memory_space<hbm>> -> memref<32x1x1024xf32, #tpu.memory_space<hbm>>
        %dma_start3A_124 = tpu.memref_squeeze %dma_start3A_123 : memref<32x1x1024xf32, #tpu.memory_space<hbm>> -> memref<32x1024xf32, #tpu.memory_space<hbm>>
        tpu.enqueue_dma source(%dma_start3A_124 : memref<32x1024xf32, #tpu.memory_space<hbm>>) target(%dma_start3A_120 : memref<32x1024xf32, #tpu.memory_space<vmem>>) target_semaphore(%dma_start3A_116 : memref<!tpu.dma_semaphore, #tpu.memory_space<semaphore_mem>>)
        %while3A_125 = arith.constant 0 : i32
        %while3A_126 = arith.constant 0 : i32
        %while3A_127 = arith.subi %select_n3A, %while3A_126 : i32
        %while3A_128 = arith.addi %while3A_126, %while3A_127 : i32
        %while3A_129 = arith.constant 1 : i32
        %while3A_130 = arith.divsi %while3A_127, %while3A_129 : i32
        %while3A_131 = arith.muli %while3A_130, %while3A_129 : i32
        %while3A_132 = arith.addi %while3A_126, %while3A_131 : i32
        %while3A_133 = arith.constant 1 : i32
        scf.for %while3A_173 = %while3A_126 to %while3A_132 step %while3A_133  : i32 {
          %jit3A_174 = arith.constant 2 : i32
          %eq3A_175 = arith.constant 0 : i32
          %eq3A_176 = arith.cmpi eq, %jit3A_174, %eq3A_175 : i32
          %jit3A_177 = arith.constant 1 : i32
          %select_n3A_178 = arith.select %eq3A_176, %jit3A_177, %jit3A_174 : i32
          %rem3A_179 = arith.remsi %while3A_173, %select_n3A_178 : i32
          %ne3A_180 = arith.constant 0 : i32
          %ne3A_181 = arith.cmpi ne, %rem3A_179, %ne3A_180 : i32
          %lt3A_182 = arith.constant 0 : i32
          %lt3A_183 = arith.cmpi slt, %rem3A_179, %lt3A_182 : i32
          %lt3A_184 = arith.constant 0 : i32
          %lt3A_185 = arith.cmpi slt, %select_n3A_178, %lt3A_184 : i32
          %ne3A_186 = arith.xori %lt3A_183, %lt3A_185 : i1
          %and3A_187 = arith.andi %ne3A_186, %ne3A_181 : i1
          %add3A_188 = arith.addi %rem3A_179, %select_n3A_178 : i32
          %select_n3A_189 = arith.select %and3A_187, %add3A_188, %rem3A_179 : i32
          %mul3A_190 = arith.constant 32 : i32
          %mul3A_191 = arith.muli %while3A_173, %mul3A_190 : i32
          %dma_wait3A_192 = arith.constant 0 : i32
          %dma_wait3A_193 = arith.constant 0 : i32
          %dma_wait3A_194 = tpu.memref_slice %arg8[%select_n3A_189, %dma_wait3A_192, %dma_wait3A_193] : memref<2x32x1024xf32, #tpu.memory_space<vmem>> -> memref<1x32x1024xf32, #tpu.memory_space<vmem>>
          %dma_wait3A_195 = tpu.memref_squeeze %dma_wait3A_194 : memref<1x32x1024xf32, #tpu.memory_space<vmem>> -> memref<32x1024xf32, #tpu.memory_space<vmem>>
          %dma_wait3A_196 = arith.constant 0 : i32
          %dma_wait3A_197 = tpu.memref_slice %arg2[%mul3A_191, %arg1, %dma_wait3A_196] : memref<2048x16x1024xf32, #tpu.memory_space<hbm>> -> memref<32x1x1024xf32, #tpu.memory_space<hbm>>
          %dma_wait3A_198 = tpu.memref_squeeze %dma_wait3A_197 : memref<32x1x1024xf32, #tpu.memory_space<hbm>> -> memref<32x1024xf32, #tpu.memory_space<hbm>>
          %dma_wait3A_199 = tpu.memref_slice %arg9[%select_n3A_189] : memref<2x!tpu.dma_semaphore, #tpu.memory_space<semaphore_mem>> -> memref<1x!tpu.dma_semaphore, #tpu.memory_space<semaphore_mem>>
          %dma_wait3A_200 = tpu.memref_squeeze %dma_wait3A_199 : memref<1x!tpu.dma_semaphore, #tpu.memory_space<semaphore_mem>> -> memref<!tpu.dma_semaphore, #tpu.memory_space<semaphore_mem>>
          %dma_wait3A_201 = arith.constant 0 : i32
          %dma_wait3A_202 = arith.constant 0 : i32
          %dma_wait3A_203 = tpu.memref_slice %arg8[%select_n3A_189, %dma_wait3A_201, %dma_wait3A_202] : memref<2x32x1024xf32, #tpu.memory_space<vmem>> -> memref<1x32x1024xf32, #tpu.memory_space<vmem>>
          %dma_wait3A_204 = tpu.memref_squeeze %dma_wait3A_203 : memref<1x32x1024xf32, #tpu.memory_space<vmem>> -> memref<32x1024xf32, #tpu.memory_space<vmem>>
          %dma_wait3A_205 = arith.constant 0 : i32
          %dma_wait3A_206 = tpu.memref_slice %arg2[%mul3A_191, %arg1, %dma_wait3A_205] : memref<2048x16x1024xf32, #tpu.memory_space<hbm>> -> memref<32x1x1024xf32, #tpu.memory_space<hbm>>
          %dma_wait3A_207 = tpu.memref_squeeze %dma_wait3A_206 : memref<32x1x1024xf32, #tpu.memory_space<hbm>> -> memref<32x1024xf32, #tpu.memory_space<hbm>>
          tpu.wait_dma2 semaphore(%dma_wait3A_200 : memref<!tpu.dma_semaphore, #tpu.memory_space<semaphore_mem>>) src(%dma_wait3A_207 : memref<32x1024xf32, #tpu.memory_space<hbm>>) dst(%dma_wait3A_204 : memref<32x1024xf32, #tpu.memory_space<vmem>>)
          %ge3A = arith.constant 1 : i32
          %ge3A_208 = arith.cmpi sge, %while3A_173, %ge3A : i32
          %convert_element_type3A_209 = arith.extui %ge3A_208 : i1 to i32
          %cond3A_210 = arith.constant 0 : i32
          %cond3A_211 = arith.cmpi ne, %convert_element_type3A_209, %cond3A_210 : i32
          scf.if %cond3A_211 {
            %sub3A_238 = arith.constant 1 : i32
            %sub3A_239 = arith.subi %while3A_173, %sub3A_238 : i32
            %sub3A_240 = arith.constant 1 : i32
            %sub3A_241 = arith.subi %sub3A_240, %select_n3A_189 : i32
            %mul3A_242 = arith.constant 32 : i32
            %mul3A_243 = arith.muli %sub3A_239, %mul3A_242 : i32
            %add3A_244 = arith.constant 0 : i32
            %add3A_245 = arith.addi %add3A_244, %mul3A_243 : i32
            %dma_wait3A_246 = arith.constant 0 : i32
            %dma_wait3A_247 = arith.constant 0 : i32
            %dma_wait3A_248 = tpu.memref_slice %arg8[%sub3A_241, %dma_wait3A_246, %dma_wait3A_247] : memref<2x32x1024xf32, #tpu.memory_space<vmem>> -> memref<1x32x1024xf32, #tpu.memory_space<vmem>>
            %dma_wait3A_249 = tpu.memref_squeeze %dma_wait3A_248 : memref<1x32x1024xf32, #tpu.memory_space<vmem>> -> memref<32x1024xf32, #tpu.memory_space<vmem>>
            %dma_wait3A_250 = arith.constant 0 : i32
            %dma_wait3A_251 = tpu.memref_slice %arg5[%add3A_245, %arg1, %dma_wait3A_250] : memref<4096x16x1024xf32, #tpu.memory_space<hbm>> -> memref<32x1x1024xf32, #tpu.memory_space<hbm>>
            %dma_wait3A_252 = tpu.memref_squeeze %dma_wait3A_251 : memref<32x1x1024xf32, #tpu.memory_space<hbm>> -> memref<32x1024xf32, #tpu.memory_space<hbm>>
            %dma_wait3A_253 = tpu.memref_slice %arg10[%sub3A_241] : memref<2x!tpu.dma_semaphore, #tpu.memory_space<semaphore_mem>> -> memref<1x!tpu.dma_semaphore, #tpu.memory_space<semaphore_mem>>
            %dma_wait3A_254 = tpu.memref_squeeze %dma_wait3A_253 : memref<1x!tpu.dma_semaphore, #tpu.memory_space<semaphore_mem>> -> memref<!tpu.dma_semaphore, #tpu.memory_space<semaphore_mem>>
            %dma_wait3A_255 = arith.constant 0 : i32
            %dma_wait3A_256 = tpu.memref_slice %arg5[%add3A_245, %arg1, %dma_wait3A_255] : memref<4096x16x1024xf32, #tpu.memory_space<hbm>> -> memref<32x1x1024xf32, #tpu.memory_space<hbm>>
            %dma_wait3A_257 = tpu.memref_squeeze %dma_wait3A_256 : memref<32x1x1024xf32, #tpu.memory_space<hbm>> -> memref<32x1024xf32, #tpu.memory_space<hbm>>
            %dma_wait3A_258 = arith.constant 0 : i32
            %dma_wait3A_259 = arith.constant 0 : i32
            %dma_wait3A_260 = tpu.memref_slice %arg8[%sub3A_241, %dma_wait3A_258, %dma_wait3A_259] : memref<2x32x1024xf32, #tpu.memory_space<vmem>> -> memref<1x32x1024xf32, #tpu.memory_space<vmem>>
            %dma_wait3A_261 = tpu.memref_squeeze %dma_wait3A_260 : memref<1x32x1024xf32, #tpu.memory_space<vmem>> -> memref<32x1024xf32, #tpu.memory_space<vmem>>
            tpu.wait_dma2 semaphore(%dma_wait3A_254 : memref<!tpu.dma_semaphore, #tpu.memory_space<semaphore_mem>>) src(%dma_wait3A_261 : memref<32x1024xf32, #tpu.memory_space<vmem>>) dst(%dma_wait3A_257 : memref<32x1024xf32, #tpu.memory_space<hbm>>)
          } else {
          }
          %add3A_212 = arith.constant 1 : i32
          %add3A_213 = arith.addi %while3A_173, %add3A_212 : i32
          %lt3A_214 = arith.cmpi slt, %add3A_213, %select_n3A : i32
          %convert_element_type3A_215 = arith.extui %lt3A_214 : i1 to i32
          %cond3A_216 = arith.constant 0 : i32
          %cond3A_217 = arith.cmpi ne, %convert_element_type3A_215, %cond3A_216 : i32
          scf.if %cond3A_217 {
            %add3A_238 = arith.constant 1 : i32
            %add3A_239 = arith.addi %while3A_173, %add3A_238 : i32
            %sub3A_240 = arith.constant 1 : i32
            %sub3A_241 = arith.subi %sub3A_240, %select_n3A_189 : i32
            %mul3A_242 = arith.constant 32 : i32
            %mul3A_243 = arith.muli %add3A_239, %mul3A_242 : i32
            %dma_start3A_244 = arith.constant 0 : i32
            %dma_start3A_245 = arith.constant 0 : i32
            %dma_start3A_246 = tpu.memref_slice %arg8[%sub3A_241, %dma_start3A_244, %dma_start3A_245] : memref<2x32x1024xf32, #tpu.memory_space<vmem>> -> memref<1x32x1024xf32, #tpu.memory_space<vmem>>
            %dma_start3A_247 = tpu.memref_squeeze %dma_start3A_246 : memref<1x32x1024xf32, #tpu.memory_space<vmem>> -> memref<32x1024xf32, #tpu.memory_space<vmem>>
            %dma_start3A_248 = arith.constant 0 : i32
            %dma_start3A_249 = tpu.memref_slice %arg2[%mul3A_243, %arg1, %dma_start3A_248] : memref<2048x16x1024xf32, #tpu.memory_space<hbm>> -> memref<32x1x1024xf32, #tpu.memory_space<hbm>>
            %dma_start3A_250 = tpu.memref_squeeze %dma_start3A_249 : memref<32x1x1024xf32, #tpu.memory_space<hbm>> -> memref<32x1024xf32, #tpu.memory_space<hbm>>
            %dma_start3A_251 = tpu.memref_slice %arg9[%sub3A_241] : memref<2x!tpu.dma_semaphore, #tpu.memory_space<semaphore_mem>> -> memref<1x!tpu.dma_semaphore, #tpu.memory_space<semaphore_mem>>
            %dma_start3A_252 = tpu.memref_squeeze %dma_start3A_251 : memref<1x!tpu.dma_semaphore, #tpu.memory_space<semaphore_mem>> -> memref<!tpu.dma_semaphore, #tpu.memory_space<semaphore_mem>>
            %dma_start3A_253 = arith.constant 0 : i32
            %dma_start3A_254 = arith.constant 0 : i32
            %dma_start3A_255 = tpu.memref_slice %arg8[%sub3A_241, %dma_start3A_253, %dma_start3A_254] : memref<2x32x1024xf32, #tpu.memory_space<vmem>> -> memref<1x32x1024xf32, #tpu.memory_space<vmem>>
            %dma_start3A_256 = tpu.memref_squeeze %dma_start3A_255 : memref<1x32x1024xf32, #tpu.memory_space<vmem>> -> memref<32x1024xf32, #tpu.memory_space<vmem>>
            %dma_start3A_257 = arith.constant 0 : i32
            %dma_start3A_258 = tpu.memref_slice %arg2[%mul3A_243, %arg1, %dma_start3A_257] : memref<2048x16x1024xf32, #tpu.memory_space<hbm>> -> memref<32x1x1024xf32, #tpu.memory_space<hbm>>
            %dma_start3A_259 = tpu.memref_squeeze %dma_start3A_258 : memref<32x1x1024xf32, #tpu.memory_space<hbm>> -> memref<32x1024xf32, #tpu.memory_space<hbm>>
            tpu.enqueue_dma source(%dma_start3A_259 : memref<32x1024xf32, #tpu.memory_space<hbm>>) target(%dma_start3A_256 : memref<32x1024xf32, #tpu.memory_space<vmem>>) target_semaphore(%dma_start3A_252 : memref<!tpu.dma_semaphore, #tpu.memory_space<semaphore_mem>>)
          } else {
          }
          %mul3A_218 = arith.constant 32 : i32
          %mul3A_219 = arith.muli %while3A_173, %mul3A_218 : i32
          %add3A_220 = arith.constant 0 : i32
          %add3A_221 = arith.addi %add3A_220, %mul3A_219 : i32
          %dma_start3A_222 = arith.constant 0 : i32
          %dma_start3A_223 = arith.constant 0 : i32
          %dma_start3A_224 = tpu.memref_slice %arg8[%select_n3A_189, %dma_start3A_222, %dma_start3A_223] : memref<2x32x1024xf32, #tpu.memory_space<vmem>> -> memref<1x32x1024xf32, #tpu.memory_space<vmem>>
          %dma_start3A_225 = tpu.memref_squeeze %dma_start3A_224 : memref<1x32x1024xf32, #tpu.memory_space<vmem>> -> memref<32x1024xf32, #tpu.memory_space<vmem>>
          %dma_start3A_226 = arith.constant 0 : i32
          %dma_start3A_227 = tpu.memref_slice %arg5[%add3A_221, %arg1, %dma_start3A_226] : memref<4096x16x1024xf32, #tpu.memory_space<hbm>> -> memref<32x1x1024xf32, #tpu.memory_space<hbm>>
          %dma_start3A_228 = tpu.memref_squeeze %dma_start3A_227 : memref<32x1x1024xf32, #tpu.memory_space<hbm>> -> memref<32x1024xf32, #tpu.memory_space<hbm>>
          %dma_start3A_229 = tpu.memref_slice %arg10[%select_n3A_189] : memref<2x!tpu.dma_semaphore, #tpu.memory_space<semaphore_mem>> -> memref<1x!tpu.dma_semaphore, #tpu.memory_space<semaphore_mem>>
          %dma_start3A_230 = tpu.memref_squeeze %dma_start3A_229 : memref<1x!tpu.dma_semaphore, #tpu.memory_space<semaphore_mem>> -> memref<!tpu.dma_semaphore, #tpu.memory_space<semaphore_mem>>
          %dma_start3A_231 = arith.constant 0 : i32
          %dma_start3A_232 = tpu.memref_slice %arg5[%add3A_221, %arg1, %dma_start3A_231] : memref<4096x16x1024xf32, #tpu.memory_space<hbm>> -> memref<32x1x1024xf32, #tpu.memory_space<hbm>>
          %dma_start3A_233 = tpu.memref_squeeze %dma_start3A_232 : memref<32x1x1024xf32, #tpu.memory_space<hbm>> -> memref<32x1024xf32, #tpu.memory_space<hbm>>
          %dma_start3A_234 = arith.constant 0 : i32
          %dma_start3A_235 = arith.constant 0 : i32
          %dma_start3A_236 = tpu.memref_slice %arg8[%select_n3A_189, %dma_start3A_234, %dma_start3A_235] : memref<2x32x1024xf32, #tpu.memory_space<vmem>> -> memref<1x32x1024xf32, #tpu.memory_space<vmem>>
          %dma_start3A_237 = tpu.memref_squeeze %dma_start3A_236 : memref<1x32x1024xf32, #tpu.memory_space<vmem>> -> memref<32x1024xf32, #tpu.memory_space<vmem>>
          tpu.enqueue_dma source(%dma_start3A_237 : memref<32x1024xf32, #tpu.memory_space<vmem>>) target(%dma_start3A_233 : memref<32x1024xf32, #tpu.memory_space<hbm>>) target_semaphore(%dma_start3A_230 : memref<!tpu.dma_semaphore, #tpu.memory_space<semaphore_mem>>)
        }
        %while3A_134 = arith.constant 1 : i32
        scf.for %while3A_173 = %while3A_132 to %while3A_128 step %while3A_134  : i32 {
          %jit3A_174 = arith.constant 2 : i32
          %eq3A_175 = arith.constant 0 : i32
          %eq3A_176 = arith.cmpi eq, %jit3A_174, %eq3A_175 : i32
          %jit3A_177 = arith.constant 1 : i32
          %select_n3A_178 = arith.select %eq3A_176, %jit3A_177, %jit3A_174 : i32
          %rem3A_179 = arith.remsi %while3A_173, %select_n3A_178 : i32
          %ne3A_180 = arith.constant 0 : i32
          %ne3A_181 = arith.cmpi ne, %rem3A_179, %ne3A_180 : i32
          %lt3A_182 = arith.constant 0 : i32
          %lt3A_183 = arith.cmpi slt, %rem3A_179, %lt3A_182 : i32
          %lt3A_184 = arith.constant 0 : i32
          %lt3A_185 = arith.cmpi slt, %select_n3A_178, %lt3A_184 : i32
          %ne3A_186 = arith.xori %lt3A_183, %lt3A_185 : i1
          %and3A_187 = arith.andi %ne3A_186, %ne3A_181 : i1
          %add3A_188 = arith.addi %rem3A_179, %select_n3A_178 : i32
          %select_n3A_189 = arith.select %and3A_187, %add3A_188, %rem3A_179 : i32
          %mul3A_190 = arith.constant 32 : i32
          %mul3A_191 = arith.muli %while3A_173, %mul3A_190 : i32
          %dma_wait3A_192 = arith.constant 0 : i32
          %dma_wait3A_193 = arith.constant 0 : i32
          %dma_wait3A_194 = tpu.memref_slice %arg8[%select_n3A_189, %dma_wait3A_192, %dma_wait3A_193] : memref<2x32x1024xf32, #tpu.memory_space<vmem>> -> memref<1x32x1024xf32, #tpu.memory_space<vmem>>
          %dma_wait3A_195 = tpu.memref_squeeze %dma_wait3A_194 : memref<1x32x1024xf32, #tpu.memory_space<vmem>> -> memref<32x1024xf32, #tpu.memory_space<vmem>>
          %dma_wait3A_196 = arith.constant 0 : i32
          %dma_wait3A_197 = tpu.memref_slice %arg2[%mul3A_191, %arg1, %dma_wait3A_196] : memref<2048x16x1024xf32, #tpu.memory_space<hbm>> -> memref<32x1x1024xf32, #tpu.memory_space<hbm>>
          %dma_wait3A_198 = tpu.memref_squeeze %dma_wait3A_197 : memref<32x1x1024xf32, #tpu.memory_space<hbm>> -> memref<32x1024xf32, #tpu.memory_space<hbm>>
          %dma_wait3A_199 = tpu.memref_slice %arg9[%select_n3A_189] : memref<2x!tpu.dma_semaphore, #tpu.memory_space<semaphore_mem>> -> memref<1x!tpu.dma_semaphore, #tpu.memory_space<semaphore_mem>>
          %dma_wait3A_200 = tpu.memref_squeeze %dma_wait3A_199 : memref<1x!tpu.dma_semaphore, #tpu.memory_space<semaphore_mem>> -> memref<!tpu.dma_semaphore, #tpu.memory_space<semaphore_mem>>
          %dma_wait3A_201 = arith.constant 0 : i32
          %dma_wait3A_202 = arith.constant 0 : i32
          %dma_wait3A_203 = tpu.memref_slice %arg8[%select_n3A_189, %dma_wait3A_201, %dma_wait3A_202] : memref<2x32x1024xf32, #tpu.memory_space<vmem>> -> memref<1x32x1024xf32, #tpu.memory_space<vmem>>
          %dma_wait3A_204 = tpu.memref_squeeze %dma_wait3A_203 : memref<1x32x1024xf32, #tpu.memory_space<vmem>> -> memref<32x1024xf32, #tpu.memory_space<vmem>>
          %dma_wait3A_205 = arith.constant 0 : i32
          %dma_wait3A_206 = tpu.memref_slice %arg2[%mul3A_191, %arg1, %dma_wait3A_205] : memref<2048x16x1024xf32, #tpu.memory_space<hbm>> -> memref<32x1x1024xf32, #tpu.memory_space<hbm>>
          %dma_wait3A_207 = tpu.memref_squeeze %dma_wait3A_206 : memref<32x1x1024xf32, #tpu.memory_space<hbm>> -> memref<32x1024xf32, #tpu.memory_space<hbm>>
          tpu.wait_dma2 semaphore(%dma_wait3A_200 : memref<!tpu.dma_semaphore, #tpu.memory_space<semaphore_mem>>) src(%dma_wait3A_207 : memref<32x1024xf32, #tpu.memory_space<hbm>>) dst(%dma_wait3A_204 : memref<32x1024xf32, #tpu.memory_space<vmem>>)
          %ge3A = arith.constant 1 : i32
          %ge3A_208 = arith.cmpi sge, %while3A_173, %ge3A : i32
          %convert_element_type3A_209 = arith.extui %ge3A_208 : i1 to i32
          %cond3A_210 = arith.constant 0 : i32
          %cond3A_211 = arith.cmpi ne, %convert_element_type3A_209, %cond3A_210 : i32
          scf.if %cond3A_211 {
            %sub3A_238 = arith.constant 1 : i32
            %sub3A_239 = arith.subi %while3A_173, %sub3A_238 : i32
            %sub3A_240 = arith.constant 1 : i32
            %sub3A_241 = arith.subi %sub3A_240, %select_n3A_189 : i32
            %mul3A_242 = arith.constant 32 : i32
            %mul3A_243 = arith.muli %sub3A_239, %mul3A_242 : i32
            %add3A_244 = arith.constant 0 : i32
            %add3A_245 = arith.addi %add3A_244, %mul3A_243 : i32
            %dma_wait3A_246 = arith.constant 0 : i32
            %dma_wait3A_247 = arith.constant 0 : i32
            %dma_wait3A_248 = tpu.memref_slice %arg8[%sub3A_241, %dma_wait3A_246, %dma_wait3A_247] : memref<2x32x1024xf32, #tpu.memory_space<vmem>> -> memref<1x32x1024xf32, #tpu.memory_space<vmem>>
            %dma_wait3A_249 = tpu.memref_squeeze %dma_wait3A_248 : memref<1x32x1024xf32, #tpu.memory_space<vmem>> -> memref<32x1024xf32, #tpu.memory_space<vmem>>
            %dma_wait3A_250 = arith.constant 0 : i32
            %dma_wait3A_251 = tpu.memref_slice %arg5[%add3A_245, %arg1, %dma_wait3A_250] : memref<4096x16x1024xf32, #tpu.memory_space<hbm>> -> memref<32x1x1024xf32, #tpu.memory_space<hbm>>
            %dma_wait3A_252 = tpu.memref_squeeze %dma_wait3A_251 : memref<32x1x1024xf32, #tpu.memory_space<hbm>> -> memref<32x1024xf32, #tpu.memory_space<hbm>>
            %dma_wait3A_253 = tpu.memref_slice %arg10[%sub3A_241] : memref<2x!tpu.dma_semaphore, #tpu.memory_space<semaphore_mem>> -> memref<1x!tpu.dma_semaphore, #tpu.memory_space<semaphore_mem>>
            %dma_wait3A_254 = tpu.memref_squeeze %dma_wait3A_253 : memref<1x!tpu.dma_semaphore, #tpu.memory_space<semaphore_mem>> -> memref<!tpu.dma_semaphore, #tpu.memory_space<semaphore_mem>>
            %dma_wait3A_255 = arith.constant 0 : i32
            %dma_wait3A_256 = tpu.memref_slice %arg5[%add3A_245, %arg1, %dma_wait3A_255] : memref<4096x16x1024xf32, #tpu.memory_space<hbm>> -> memref<32x1x1024xf32, #tpu.memory_space<hbm>>
            %dma_wait3A_257 = tpu.memref_squeeze %dma_wait3A_256 : memref<32x1x1024xf32, #tpu.memory_space<hbm>> -> memref<32x1024xf32, #tpu.memory_space<hbm>>
            %dma_wait3A_258 = arith.constant 0 : i32
            %dma_wait3A_259 = arith.constant 0 : i32
            %dma_wait3A_260 = tpu.memref_slice %arg8[%sub3A_241, %dma_wait3A_258, %dma_wait3A_259] : memref<2x32x1024xf32, #tpu.memory_space<vmem>> -> memref<1x32x1024xf32, #tpu.memory_space<vmem>>
            %dma_wait3A_261 = tpu.memref_squeeze %dma_wait3A_260 : memref<1x32x1024xf32, #tpu.memory_space<vmem>> -> memref<32x1024xf32, #tpu.memory_space<vmem>>
            tpu.wait_dma2 semaphore(%dma_wait3A_254 : memref<!tpu.dma_semaphore, #tpu.memory_space<semaphore_mem>>) src(%dma_wait3A_261 : memref<32x1024xf32, #tpu.memory_space<vmem>>) dst(%dma_wait3A_257 : memref<32x1024xf32, #tpu.memory_space<hbm>>)
          } else {
          }
          %add3A_212 = arith.constant 1 : i32
          %add3A_213 = arith.addi %while3A_173, %add3A_212 : i32
          %lt3A_214 = arith.cmpi slt, %add3A_213, %select_n3A : i32
          %convert_element_type3A_215 = arith.extui %lt3A_214 : i1 to i32
          %cond3A_216 = arith.constant 0 : i32
          %cond3A_217 = arith.cmpi ne, %convert_element_type3A_215, %cond3A_216 : i32
          scf.if %cond3A_217 {
            %add3A_238 = arith.constant 1 : i32
            %add3A_239 = arith.addi %while3A_173, %add3A_238 : i32
            %sub3A_240 = arith.constant 1 : i32
            %sub3A_241 = arith.subi %sub3A_240, %select_n3A_189 : i32
            %mul3A_242 = arith.constant 32 : i32
            %mul3A_243 = arith.muli %add3A_239, %mul3A_242 : i32
            %dma_start3A_244 = arith.constant 0 : i32
            %dma_start3A_245 = arith.constant 0 : i32
            %dma_start3A_246 = tpu.memref_slice %arg8[%sub3A_241, %dma_start3A_244, %dma_start3A_245] : memref<2x32x1024xf32, #tpu.memory_space<vmem>> -> memref<1x32x1024xf32, #tpu.memory_space<vmem>>
            %dma_start3A_247 = tpu.memref_squeeze %dma_start3A_246 : memref<1x32x1024xf32, #tpu.memory_space<vmem>> -> memref<32x1024xf32, #tpu.memory_space<vmem>>
            %dma_start3A_248 = arith.constant 0 : i32
            %dma_start3A_249 = tpu.memref_slice %arg2[%mul3A_243, %arg1, %dma_start3A_248] : memref<2048x16x1024xf32, #tpu.memory_space<hbm>> -> memref<32x1x1024xf32, #tpu.memory_space<hbm>>
            %dma_start3A_250 = tpu.memref_squeeze %dma_start3A_249 : memref<32x1x1024xf32, #tpu.memory_space<hbm>> -> memref<32x1024xf32, #tpu.memory_space<hbm>>
            %dma_start3A_251 = tpu.memref_slice %arg9[%sub3A_241] : memref<2x!tpu.dma_semaphore, #tpu.memory_space<semaphore_mem>> -> memref<1x!tpu.dma_semaphore, #tpu.memory_space<semaphore_mem>>
            %dma_start3A_252 = tpu.memref_squeeze %dma_start3A_251 : memref<1x!tpu.dma_semaphore, #tpu.memory_space<semaphore_mem>> -> memref<!tpu.dma_semaphore, #tpu.memory_space<semaphore_mem>>
            %dma_start3A_253 = arith.constant 0 : i32
            %dma_start3A_254 = arith.constant 0 : i32
            %dma_start3A_255 = tpu.memref_slice %arg8[%sub3A_241, %dma_start3A_253, %dma_start3A_254] : memref<2x32x1024xf32, #tpu.memory_space<vmem>> -> memref<1x32x1024xf32, #tpu.memory_space<vmem>>
            %dma_start3A_256 = tpu.memref_squeeze %dma_start3A_255 : memref<1x32x1024xf32, #tpu.memory_space<vmem>> -> memref<32x1024xf32, #tpu.memory_space<vmem>>
            %dma_start3A_257 = arith.constant 0 : i32
            %dma_start3A_258 = tpu.memref_slice %arg2[%mul3A_243, %arg1, %dma_start3A_257] : memref<2048x16x1024xf32, #tpu.memory_space<hbm>> -> memref<32x1x1024xf32, #tpu.memory_space<hbm>>
            %dma_start3A_259 = tpu.memref_squeeze %dma_start3A_258 : memref<32x1x1024xf32, #tpu.memory_space<hbm>> -> memref<32x1024xf32, #tpu.memory_space<hbm>>
            tpu.enqueue_dma source(%dma_start3A_259 : memref<32x1024xf32, #tpu.memory_space<hbm>>) target(%dma_start3A_256 : memref<32x1024xf32, #tpu.memory_space<vmem>>) target_semaphore(%dma_start3A_252 : memref<!tpu.dma_semaphore, #tpu.memory_space<semaphore_mem>>)
          } else {
          }
          %mul3A_218 = arith.constant 32 : i32
          %mul3A_219 = arith.muli %while3A_173, %mul3A_218 : i32
          %add3A_220 = arith.constant 0 : i32
          %add3A_221 = arith.addi %add3A_220, %mul3A_219 : i32
          %dma_start3A_222 = arith.constant 0 : i32
          %dma_start3A_223 = arith.constant 0 : i32
          %dma_start3A_224 = tpu.memref_slice %arg8[%select_n3A_189, %dma_start3A_222, %dma_start3A_223] : memref<2x32x1024xf32, #tpu.memory_space<vmem>> -> memref<1x32x1024xf32, #tpu.memory_space<vmem>>
          %dma_start3A_225 = tpu.memref_squeeze %dma_start3A_224 : memref<1x32x1024xf32, #tpu.memory_space<vmem>> -> memref<32x1024xf32, #tpu.memory_space<vmem>>
          %dma_start3A_226 = arith.constant 0 : i32
          %dma_start3A_227 = tpu.memref_slice %arg5[%add3A_221, %arg1, %dma_start3A_226] : memref<4096x16x1024xf32, #tpu.memory_space<hbm>> -> memref<32x1x1024xf32, #tpu.memory_space<hbm>>
          %dma_start3A_228 = tpu.memref_squeeze %dma_start3A_227 : memref<32x1x1024xf32, #tpu.memory_space<hbm>> -> memref<32x1024xf32, #tpu.memory_space<hbm>>
          %dma_start3A_229 = tpu.memref_slice %arg10[%select_n3A_189] : memref<2x!tpu.dma_semaphore, #tpu.memory_space<semaphore_mem>> -> memref<1x!tpu.dma_semaphore, #tpu.memory_space<semaphore_mem>>
          %dma_start3A_230 = tpu.memref_squeeze %dma_start3A_229 : memref<1x!tpu.dma_semaphore, #tpu.memory_space<semaphore_mem>> -> memref<!tpu.dma_semaphore, #tpu.memory_space<semaphore_mem>>
          %dma_start3A_231 = arith.constant 0 : i32
          %dma_start3A_232 = tpu.memref_slice %arg5[%add3A_221, %arg1, %dma_start3A_231] : memref<4096x16x1024xf32, #tpu.memory_space<hbm>> -> memref<32x1x1024xf32, #tpu.memory_space<hbm>>
          %dma_start3A_233 = tpu.memref_squeeze %dma_start3A_232 : memref<32x1x1024xf32, #tpu.memory_space<hbm>> -> memref<32x1024xf32, #tpu.memory_space<hbm>>
          %dma_start3A_234 = arith.constant 0 : i32
          %dma_start3A_235 = arith.constant 0 : i32
          %dma_start3A_236 = tpu.memref_slice %arg8[%select_n3A_189, %dma_start3A_234, %dma_start3A_235] : memref<2x32x1024xf32, #tpu.memory_space<vmem>> -> memref<1x32x1024xf32, #tpu.memory_space<vmem>>
          %dma_start3A_237 = tpu.memref_squeeze %dma_start3A_236 : memref<1x32x1024xf32, #tpu.memory_space<vmem>> -> memref<32x1024xf32, #tpu.memory_space<vmem>>
          tpu.enqueue_dma source(%dma_start3A_237 : memref<32x1024xf32, #tpu.memory_space<vmem>>) target(%dma_start3A_233 : memref<32x1024xf32, #tpu.memory_space<hbm>>) target_semaphore(%dma_start3A_230 : memref<!tpu.dma_semaphore, #tpu.memory_space<semaphore_mem>>)
        }
        %sub3A_135 = arith.constant 1 : i32
        %sub3A_136 = arith.subi %select_n3A, %sub3A_135 : i32
        %sub3A_137 = arith.constant 1 : i32
        %sub3A_138 = arith.subi %select_n3A, %sub3A_137 : i32
        %jit3A_139 = arith.constant 2 : i32
        %eq3A_140 = arith.constant 0 : i32
        %eq3A_141 = arith.cmpi eq, %jit3A_139, %eq3A_140 : i32
        %jit3A_142 = arith.constant 1 : i32
        %select_n3A_143 = arith.select %eq3A_141, %jit3A_142, %jit3A_139 : i32
        %rem3A_144 = arith.remsi %sub3A_138, %select_n3A_143 : i32
        %ne3A_145 = arith.constant 0 : i32
        %ne3A_146 = arith.cmpi ne, %rem3A_144, %ne3A_145 : i32
        %lt3A = arith.constant 0 : i32
        %lt3A_147 = arith.cmpi slt, %rem3A_144, %lt3A : i32
        %lt3A_148 = arith.constant 0 : i32
        %lt3A_149 = arith.cmpi slt, %select_n3A_143, %lt3A_148 : i32
        %ne3A_150 = arith.xori %lt3A_147, %lt3A_149 : i1
        %and3A_151 = arith.andi %ne3A_150, %ne3A_146 : i1
        %add3A_152 = arith.addi %rem3A_144, %select_n3A_143 : i32
        %select_n3A_153 = arith.select %and3A_151, %add3A_152, %rem3A_144 : i32
        %mul3A_154 = arith.constant 32 : i32
        %mul3A_155 = arith.muli %sub3A_136, %mul3A_154 : i32
        %add3A_156 = arith.constant 0 : i32
        %add3A_157 = arith.addi %add3A_156, %mul3A_155 : i32
        %dma_wait3A = arith.constant 0 : i32
        %dma_wait3A_158 = arith.constant 0 : i32
        %dma_wait3A_159 = tpu.memref_slice %arg8[%select_n3A_153, %dma_wait3A, %dma_wait3A_158] : memref<2x32x1024xf32, #tpu.memory_space<vmem>> -> memref<1x32x1024xf32, #tpu.memory_space<vmem>>
        %dma_wait3A_160 = tpu.memref_squeeze %dma_wait3A_159 : memref<1x32x1024xf32, #tpu.memory_space<vmem>> -> memref<32x1024xf32, #tpu.memory_space<vmem>>
        %dma_wait3A_161 = arith.constant 0 : i32
        %dma_wait3A_162 = tpu.memref_slice %arg5[%add3A_157, %arg1, %dma_wait3A_161] : memref<4096x16x1024xf32, #tpu.memory_space<hbm>> -> memref<32x1x1024xf32, #tpu.memory_space<hbm>>
        %dma_wait3A_163 = tpu.memref_squeeze %dma_wait3A_162 : memref<32x1x1024xf32, #tpu.memory_space<hbm>> -> memref<32x1024xf32, #tpu.memory_space<hbm>>
        %dma_wait3A_164 = tpu.memref_slice %arg10[%select_n3A_153] : memref<2x!tpu.dma_semaphore, #tpu.memory_space<semaphore_mem>> -> memref<1x!tpu.dma_semaphore, #tpu.memory_space<semaphore_mem>>
        %dma_wait3A_165 = tpu.memref_squeeze %dma_wait3A_164 : memref<1x!tpu.dma_semaphore, #tpu.memory_space<semaphore_mem>> -> memref<!tpu.dma_semaphore, #tpu.memory_space<semaphore_mem>>
        %dma_wait3A_166 = arith.constant 0 : i32
        %dma_wait3A_167 = tpu.memref_slice %arg5[%add3A_157, %arg1, %dma_wait3A_166] : memref<4096x16x1024xf32, #tpu.memory_space<hbm>> -> memref<32x1x1024xf32, #tpu.memory_space<hbm>>
        %dma_wait3A_168 = tpu.memref_squeeze %dma_wait3A_167 : memref<32x1x1024xf32, #tpu.memory_space<hbm>> -> memref<32x1024xf32, #tpu.memory_space<hbm>>
        %dma_wait3A_169 = arith.constant 0 : i32
        %dma_wait3A_170 = arith.constant 0 : i32
        %dma_wait3A_171 = tpu.memref_slice %arg8[%select_n3A_153, %dma_wait3A_169, %dma_wait3A_170] : memref<2x32x1024xf32, #tpu.memory_space<vmem>> -> memref<1x32x1024xf32, #tpu.memory_space<vmem>>
        %dma_wait3A_172 = tpu.memref_squeeze %dma_wait3A_171 : memref<1x32x1024xf32, #tpu.memory_space<vmem>> -> memref<32x1024xf32, #tpu.memory_space<vmem>>
        tpu.wait_dma2 semaphore(%dma_wait3A_165 : memref<!tpu.dma_semaphore, #tpu.memory_space<semaphore_mem>>) src(%dma_wait3A_172 : memref<32x1024xf32, #tpu.memory_space<vmem>>) dst(%dma_wait3A_168 : memref<32x1024xf32, #tpu.memory_space<hbm>>)
      } else {
      }
      %mul3A = arith.constant 32 : i32
      %mul3A_29 = arith.muli %select_n3A, %mul3A : i32
      %sub3A_30 = arith.subi %squeeze3A, %mul3A_29 : i32
      %while3A = arith.constant 0 : i32
      %while3A_31 = arith.constant 0 : i32
      %while3A_32 = arith.subi %sub3A_30, %while3A_31 : i32
      %while3A_33 = arith.addi %while3A_31, %while3A_32 : i32
      %while3A_34 = arith.constant 1 : i32
      %while3A_35 = arith.divsi %while3A_32, %while3A_34 : i32
      %while3A_36 = arith.muli %while3A_35, %while3A_34 : i32
      %while3A_37 = arith.addi %while3A_31, %while3A_36 : i32
      %while3A_38 = arith.constant 1 : i32
      scf.for %while3A_106 = %while3A_31 to %while3A_37 step %while3A_38  : i32 {
        %mul3A_107 = arith.constant 32 : i32
        %mul3A_108 = arith.muli %select_n3A, %mul3A_107 : i32
        %add3A_109 = arith.addi %mul3A_108, %while3A_106 : i32
        %run_scoped3A = arith.constant 0 : i32
        %run_scoped3A_110 = arith.constant 0 : i32
        "tpu.region"() ({
          %run_scoped3A_115 = tpu.sem_alloc : memref<!tpu.dma_semaphore, #tpu.memory_space<semaphore_mem>>
          %dma_start3A = arith.constant 0 : i32
          %dma_start3A_116 = tpu.memref_slice %arg8[%run_scoped3A, %run_scoped3A_110, %dma_start3A] : memref<2x32x1024xf32, #tpu.memory_space<vmem>> -> memref<1x1x1024xf32, #tpu.memory_space<vmem>>
          %dma_start3A_117 = tpu.memref_squeeze %dma_start3A_116 : memref<1x1x1024xf32, #tpu.memory_space<vmem>> -> memref<1024xf32, #tpu.memory_space<vmem>>
          %dma_start3A_118 = arith.constant 0 : i32
          %dma_start3A_119 = tpu.memref_slice %arg2[%add3A_109, %arg1, %dma_start3A_118] : memref<2048x16x1024xf32, #tpu.memory_space<hbm>> -> memref<1x1x1024xf32, #tpu.memory_space<hbm>>
          %dma_start3A_120 = tpu.memref_squeeze %dma_start3A_119 : memref<1x1x1024xf32, #tpu.memory_space<hbm>> -> memref<1024xf32, #tpu.memory_space<hbm>>
          %dma_start3A_121 = arith.constant 0 : i32
          %dma_start3A_122 = tpu.memref_slice %arg8[%run_scoped3A, %run_scoped3A_110, %dma_start3A_121] : memref<2x32x1024xf32, #tpu.memory_space<vmem>> -> memref<1x1x1024xf32, #tpu.memory_space<vmem>>
          %dma_start3A_123 = tpu.memref_squeeze %dma_start3A_122 : memref<1x1x1024xf32, #tpu.memory_space<vmem>> -> memref<1024xf32, #tpu.memory_space<vmem>>
          %dma_start3A_124 = arith.constant 0 : i32
          %dma_start3A_125 = tpu.memref_slice %arg2[%add3A_109, %arg1, %dma_start3A_124] : memref<2048x16x1024xf32, #tpu.memory_space<hbm>> -> memref<1x1x1024xf32, #tpu.memory_space<hbm>>
          %dma_start3A_126 = tpu.memref_squeeze %dma_start3A_125 : memref<1x1x1024xf32, #tpu.memory_space<hbm>> -> memref<1024xf32, #tpu.memory_space<hbm>>
          tpu.enqueue_dma source(%dma_start3A_126 : memref<1024xf32, #tpu.memory_space<hbm>>) target(%dma_start3A_123 : memref<1024xf32, #tpu.memory_space<vmem>>) target_semaphore(%run_scoped3A_115 : memref<!tpu.dma_semaphore, #tpu.memory_space<semaphore_mem>>)
          %dma_wait3A = arith.constant 0 : i32
          %dma_wait3A_127 = tpu.memref_slice %arg8[%run_scoped3A, %run_scoped3A_110, %dma_wait3A] : memref<2x32x1024xf32, #tpu.memory_space<vmem>> -> memref<1x1x1024xf32, #tpu.memory_space<vmem>>
          %dma_wait3A_128 = tpu.memref_squeeze %dma_wait3A_127 : memref<1x1x1024xf32, #tpu.memory_space<vmem>> -> memref<1024xf32, #tpu.memory_space<vmem>>
          %dma_wait3A_129 = arith.constant 0 : i32
          %dma_wait3A_130 = tpu.memref_slice %arg2[%add3A_109, %arg1, %dma_wait3A_129] : memref<2048x16x1024xf32, #tpu.memory_space<hbm>> -> memref<1x1x1024xf32, #tpu.memory_space<hbm>>
          %dma_wait3A_131 = tpu.memref_squeeze %dma_wait3A_130 : memref<1x1x1024xf32, #tpu.memory_space<hbm>> -> memref<1024xf32, #tpu.memory_space<hbm>>
          %dma_wait3A_132 = arith.constant 0 : i32
          %dma_wait3A_133 = tpu.memref_slice %arg8[%run_scoped3A, %run_scoped3A_110, %dma_wait3A_132] : memref<2x32x1024xf32, #tpu.memory_space<vmem>> -> memref<1x1x1024xf32, #tpu.memory_space<vmem>>
          %dma_wait3A_134 = tpu.memref_squeeze %dma_wait3A_133 : memref<1x1x1024xf32, #tpu.memory_space<vmem>> -> memref<1024xf32, #tpu.memory_space<vmem>>
          %dma_wait3A_135 = arith.constant 0 : i32
          %dma_wait3A_136 = tpu.memref_slice %arg2[%add3A_109, %arg1, %dma_wait3A_135] : memref<2048x16x1024xf32, #tpu.memory_space<hbm>> -> memref<1x1x1024xf32, #tpu.memory_space<hbm>>
          %dma_wait3A_137 = tpu.memref_squeeze %dma_wait3A_136 : memref<1x1x1024xf32, #tpu.memory_space<hbm>> -> memref<1024xf32, #tpu.memory_space<hbm>>
          tpu.wait_dma2 semaphore(%run_scoped3A_115 : memref<!tpu.dma_semaphore, #tpu.memory_space<semaphore_mem>>) src(%dma_wait3A_137 : memref<1024xf32, #tpu.memory_space<hbm>>) dst(%dma_wait3A_134 : memref<1024xf32, #tpu.memory_space<vmem>>)
          tpu.yield
        }) : () -> ()
        %add3A_111 = arith.constant 0 : i32
        %add3A_112 = arith.addi %add3A_111, %add3A_109 : i32
        %run_scoped3A_113 = arith.constant 0 : i32
        %run_scoped3A_114 = arith.constant 0 : i32
        "tpu.region"() ({
          %run_scoped3A_115 = tpu.sem_alloc : memref<!tpu.dma_semaphore, #tpu.memory_space<semaphore_mem>>
          %dma_start3A = arith.constant 0 : i32
          %dma_start3A_116 = tpu.memref_slice %arg8[%run_scoped3A_113, %run_scoped3A_114, %dma_start3A] : memref<2x32x1024xf32, #tpu.memory_space<vmem>> -> memref<1x1x1024xf32, #tpu.memory_space<vmem>>
          %dma_start3A_117 = tpu.memref_squeeze %dma_start3A_116 : memref<1x1x1024xf32, #tpu.memory_space<vmem>> -> memref<1024xf32, #tpu.memory_space<vmem>>
          %dma_start3A_118 = arith.constant 0 : i32
          %dma_start3A_119 = tpu.memref_slice %arg5[%add3A_112, %arg1, %dma_start3A_118] : memref<4096x16x1024xf32, #tpu.memory_space<hbm>> -> memref<1x1x1024xf32, #tpu.memory_space<hbm>>
          %dma_start3A_120 = tpu.memref_squeeze %dma_start3A_119 : memref<1x1x1024xf32, #tpu.memory_space<hbm>> -> memref<1024xf32, #tpu.memory_space<hbm>>
          %dma_start3A_121 = arith.constant 0 : i32
          %dma_start3A_122 = tpu.memref_slice %arg5[%add3A_112, %arg1, %dma_start3A_121] : memref<4096x16x1024xf32, #tpu.memory_space<hbm>> -> memref<1x1x1024xf32, #tpu.memory_space<hbm>>
          %dma_start3A_123 = tpu.memref_squeeze %dma_start3A_122 : memref<1x1x1024xf32, #tpu.memory_space<hbm>> -> memref<1024xf32, #tpu.memory_space<hbm>>
          %dma_start3A_124 = arith.constant 0 : i32
          %dma_start3A_125 = tpu.memref_slice %arg8[%run_scoped3A_113, %run_scoped3A_114, %dma_start3A_124] : memref<2x32x1024xf32, #tpu.memory_space<vmem>> -> memref<1x1x1024xf32, #tpu.memory_space<vmem>>
          %dma_start3A_126 = tpu.memref_squeeze %dma_start3A_125 : memref<1x1x1024xf32, #tpu.memory_space<vmem>> -> memref<1024xf32, #tpu.memory_space<vmem>>
          tpu.enqueue_dma source(%dma_start3A_126 : memref<1024xf32, #tpu.memory_space<vmem>>) target(%dma_start3A_123 : memref<1024xf32, #tpu.memory_space<hbm>>) target_semaphore(%run_scoped3A_115 : memref<!tpu.dma_semaphore, #tpu.memory_space<semaphore_mem>>)
          %dma_wait3A = arith.constant 0 : i32
          %dma_wait3A_127 = tpu.memref_slice %arg8[%run_scoped3A_113, %run_scoped3A_114, %dma_wait3A] : memref<2x32x1024xf32, #tpu.memory_space<vmem>> -> memref<1x1x1024xf32, #tpu.memory_space<vmem>>
          %dma_wait3A_128 = tpu.memref_squeeze %dma_wait3A_127 : memref<1x1x1024xf32, #tpu.memory_space<vmem>> -> memref<1024xf32, #tpu.memory_space<vmem>>
          %dma_wait3A_129 = arith.constant 0 : i32
          %dma_wait3A_130 = tpu.memref_slice %arg5[%add3A_112, %arg1, %dma_wait3A_129] : memref<4096x16x1024xf32, #tpu.memory_space<hbm>> -> memref<1x1x1024xf32, #tpu.memory_space<hbm>>
          %dma_wait3A_131 = tpu.memref_squeeze %dma_wait3A_130 : memref<1x1x1024xf32, #tpu.memory_space<hbm>> -> memref<1024xf32, #tpu.memory_space<hbm>>
          %dma_wait3A_132 = arith.constant 0 : i32
          %dma_wait3A_133 = tpu.memref_slice %arg5[%add3A_112, %arg1, %dma_wait3A_132] : memref<4096x16x1024xf32, #tpu.memory_space<hbm>> -> memref<1x1x1024xf32, #tpu.memory_space<hbm>>
          %dma_wait3A_134 = tpu.memref_squeeze %dma_wait3A_133 : memref<1x1x1024xf32, #tpu.memory_space<hbm>> -> memref<1024xf32, #tpu.memory_space<hbm>>
          %dma_wait3A_135 = arith.constant 0 : i32
          %dma_wait3A_136 = tpu.memref_slice %arg8[%run_scoped3A_113, %run_scoped3A_114, %dma_wait3A_135] : memref<2x32x1024xf32, #tpu.memory_space<vmem>> -> memref<1x1x1024xf32, #tpu.memory_space<vmem>>
          %dma_wait3A_137 = tpu.memref_squeeze %dma_wait3A_136 : memref<1x1x1024xf32, #tpu.memory_space<vmem>> -> memref<1024xf32, #tpu.memory_space<vmem>>
          tpu.wait_dma2 semaphore(%run_scoped3A_115 : memref<!tpu.dma_semaphore, #tpu.memory_space<semaphore_mem>>) src(%dma_wait3A_137 : memref<1024xf32, #tpu.memory_space<vmem>>) dst(%dma_wait3A_134 : memref<1024xf32, #tpu.memory_space<hbm>>)
          tpu.yield
        }) : () -> ()
      }
      %while3A_39 = arith.constant 1 : i32
      scf.for %while3A_106 = %while3A_37 to %while3A_33 step %while3A_39  : i32 {
        %mul3A_107 = arith.constant 32 : i32
        %mul3A_108 = arith.muli %select_n3A, %mul3A_107 : i32
        %add3A_109 = arith.addi %mul3A_108, %while3A_106 : i32
        %run_scoped3A = arith.constant 0 : i32
        %run_scoped3A_110 = arith.constant 0 : i32
        "tpu.region"() ({
          %run_scoped3A_115 = tpu.sem_alloc : memref<!tpu.dma_semaphore, #tpu.memory_space<semaphore_mem>>
          %dma_start3A = arith.constant 0 : i32
          %dma_start3A_116 = tpu.memref_slice %arg8[%run_scoped3A, %run_scoped3A_110, %dma_start3A] : memref<2x32x1024xf32, #tpu.memory_space<vmem>> -> memref<1x1x1024xf32, #tpu.memory_space<vmem>>
          %dma_start3A_117 = tpu.memref_squeeze %dma_start3A_116 : memref<1x1x1024xf32, #tpu.memory_space<vmem>> -> memref<1024xf32, #tpu.memory_space<vmem>>
          %dma_start3A_118 = arith.constant 0 : i32
          %dma_start3A_119 = tpu.memref_slice %arg2[%add3A_109, %arg1, %dma_start3A_118] : memref<2048x16x1024xf32, #tpu.memory_space<hbm>> -> memref<1x1x1024xf32, #tpu.memory_space<hbm>>
          %dma_start3A_120 = tpu.memref_squeeze %dma_start3A_119 : memref<1x1x1024xf32, #tpu.memory_space<hbm>> -> memref<1024xf32, #tpu.memory_space<hbm>>
          %dma_start3A_121 = arith.constant 0 : i32
          %dma_start3A_122 = tpu.memref_slice %arg8[%run_scoped3A, %run_scoped3A_110, %dma_start3A_121] : memref<2x32x1024xf32, #tpu.memory_space<vmem>> -> memref<1x1x1024xf32, #tpu.memory_space<vmem>>
          %dma_start3A_123 = tpu.memref_squeeze %dma_start3A_122 : memref<1x1x1024xf32, #tpu.memory_space<vmem>> -> memref<1024xf32, #tpu.memory_space<vmem>>
          %dma_start3A_124 = arith.constant 0 : i32
          %dma_start3A_125 = tpu.memref_slice %arg2[%add3A_109, %arg1, %dma_start3A_124] : memref<2048x16x1024xf32, #tpu.memory_space<hbm>> -> memref<1x1x1024xf32, #tpu.memory_space<hbm>>
          %dma_start3A_126 = tpu.memref_squeeze %dma_start3A_125 : memref<1x1x1024xf32, #tpu.memory_space<hbm>> -> memref<1024xf32, #tpu.memory_space<hbm>>
          tpu.enqueue_dma source(%dma_start3A_126 : memref<1024xf32, #tpu.memory_space<hbm>>) target(%dma_start3A_123 : memref<1024xf32, #tpu.memory_space<vmem>>) target_semaphore(%run_scoped3A_115 : memref<!tpu.dma_semaphore, #tpu.memory_space<semaphore_mem>>)
          %dma_wait3A = arith.constant 0 : i32
          %dma_wait3A_127 = tpu.memref_slice %arg8[%run_scoped3A, %run_scoped3A_110, %dma_wait3A] : memref<2x32x1024xf32, #tpu.memory_space<vmem>> -> memref<1x1x1024xf32, #tpu.memory_space<vmem>>
          %dma_wait3A_128 = tpu.memref_squeeze %dma_wait3A_127 : memref<1x1x1024xf32, #tpu.memory_space<vmem>> -> memref<1024xf32, #tpu.memory_space<vmem>>
          %dma_wait3A_129 = arith.constant 0 : i32
          %dma_wait3A_130 = tpu.memref_slice %arg2[%add3A_109, %arg1, %dma_wait3A_129] : memref<2048x16x1024xf32, #tpu.memory_space<hbm>> -> memref<1x1x1024xf32, #tpu.memory_space<hbm>>
          %dma_wait3A_131 = tpu.memref_squeeze %dma_wait3A_130 : memref<1x1x1024xf32, #tpu.memory_space<hbm>> -> memref<1024xf32, #tpu.memory_space<hbm>>
          %dma_wait3A_132 = arith.constant 0 : i32
          %dma_wait3A_133 = tpu.memref_slice %arg8[%run_scoped3A, %run_scoped3A_110, %dma_wait3A_132] : memref<2x32x1024xf32, #tpu.memory_space<vmem>> -> memref<1x1x1024xf32, #tpu.memory_space<vmem>>
          %dma_wait3A_134 = tpu.memref_squeeze %dma_wait3A_133 : memref<1x1x1024xf32, #tpu.memory_space<vmem>> -> memref<1024xf32, #tpu.memory_space<vmem>>
          %dma_wait3A_135 = arith.constant 0 : i32
          %dma_wait3A_136 = tpu.memref_slice %arg2[%add3A_109, %arg1, %dma_wait3A_135] : memref<2048x16x1024xf32, #tpu.memory_space<hbm>> -> memref<1x1x1024xf32, #tpu.memory_space<hbm>>
          %dma_wait3A_137 = tpu.memref_squeeze %dma_wait3A_136 : memref<1x1x1024xf32, #tpu.memory_space<hbm>> -> memref<1024xf32, #tpu.memory_space<hbm>>
          tpu.wait_dma2 semaphore(%run_scoped3A_115 : memref<!tpu.dma_semaphore, #tpu.memory_space<semaphore_mem>>) src(%dma_wait3A_137 : memref<1024xf32, #tpu.memory_space<hbm>>) dst(%dma_wait3A_134 : memref<1024xf32, #tpu.memory_space<vmem>>)
          tpu.yield
        }) : () -> ()
        %add3A_111 = arith.constant 0 : i32
        %add3A_112 = arith.addi %add3A_111, %add3A_109 : i32
        %run_scoped3A_113 = arith.constant 0 : i32
        %run_scoped3A_114 = arith.constant 0 : i32
        "tpu.region"() ({
          %run_scoped3A_115 = tpu.sem_alloc : memref<!tpu.dma_semaphore, #tpu.memory_space<semaphore_mem>>
          %dma_start3A = arith.constant 0 : i32
          %dma_start3A_116 = tpu.memref_slice %arg8[%run_scoped3A_113, %run_scoped3A_114, %dma_start3A] : memref<2x32x1024xf32, #tpu.memory_space<vmem>> -> memref<1x1x1024xf32, #tpu.memory_space<vmem>>
          %dma_start3A_117 = tpu.memref_squeeze %dma_start3A_116 : memref<1x1x1024xf32, #tpu.memory_space<vmem>> -> memref<1024xf32, #tpu.memory_space<vmem>>
          %dma_start3A_118 = arith.constant 0 : i32
          %dma_start3A_119 = tpu.memref_slice %arg5[%add3A_112, %arg1, %dma_start3A_118] : memref<4096x16x1024xf32, #tpu.memory_space<hbm>> -> memref<1x1x1024xf32, #tpu.memory_space<hbm>>
          %dma_start3A_120 = tpu.memref_squeeze %dma_start3A_119 : memref<1x1x1024xf32, #tpu.memory_space<hbm>> -> memref<1024xf32, #tpu.memory_space<hbm>>
          %dma_start3A_121 = arith.constant 0 : i32
          %dma_start3A_122 = tpu.memref_slice %arg5[%add3A_112, %arg1, %dma_start3A_121] : memref<4096x16x1024xf32, #tpu.memory_space<hbm>> -> memref<1x1x1024xf32, #tpu.memory_space<hbm>>
          %dma_start3A_123 = tpu.memref_squeeze %dma_start3A_122 : memref<1x1x1024xf32, #tpu.memory_space<hbm>> -> memref<1024xf32, #tpu.memory_space<hbm>>
          %dma_start3A_124 = arith.constant 0 : i32
          %dma_start3A_125 = tpu.memref_slice %arg8[%run_scoped3A_113, %run_scoped3A_114, %dma_start3A_124] : memref<2x32x1024xf32, #tpu.memory_space<vmem>> -> memref<1x1x1024xf32, #tpu.memory_space<vmem>>
          %dma_start3A_126 = tpu.memref_squeeze %dma_start3A_125 : memref<1x1x1024xf32, #tpu.memory_space<vmem>> -> memref<1024xf32, #tpu.memory_space<vmem>>
          tpu.enqueue_dma source(%dma_start3A_126 : memref<1024xf32, #tpu.memory_space<vmem>>) target(%dma_start3A_123 : memref<1024xf32, #tpu.memory_space<hbm>>) target_semaphore(%run_scoped3A_115 : memref<!tpu.dma_semaphore, #tpu.memory_space<semaphore_mem>>)
          %dma_wait3A = arith.constant 0 : i32
          %dma_wait3A_127 = tpu.memref_slice %arg8[%run_scoped3A_113, %run_scoped3A_114, %dma_wait3A] : memref<2x32x1024xf32, #tpu.memory_space<vmem>> -> memref<1x1x1024xf32, #tpu.memory_space<vmem>>
          %dma_wait3A_128 = tpu.memref_squeeze %dma_wait3A_127 : memref<1x1x1024xf32, #tpu.memory_space<vmem>> -> memref<1024xf32, #tpu.memory_space<vmem>>
          %dma_wait3A_129 = arith.constant 0 : i32
          %dma_wait3A_130 = tpu.memref_slice %arg5[%add3A_112, %arg1, %dma_wait3A_129] : memref<4096x16x1024xf32, #tpu.memory_space<hbm>> -> memref<1x1x1024xf32, #tpu.memory_space<hbm>>
          %dma_wait3A_131 = tpu.memref_squeeze %dma_wait3A_130 : memref<1x1x1024xf32, #tpu.memory_space<hbm>> -> memref<1024xf32, #tpu.memory_space<hbm>>
          %dma_wait3A_132 = arith.constant 0 : i32
          %dma_wait3A_133 = tpu.memref_slice %arg5[%add3A_112, %arg1, %dma_wait3A_132] : memref<4096x16x1024xf32, #tpu.memory_space<hbm>> -> memref<1x1x1024xf32, #tpu.memory_space<hbm>>
          %dma_wait3A_134 = tpu.memref_squeeze %dma_wait3A_133 : memref<1x1x1024xf32, #tpu.memory_space<hbm>> -> memref<1024xf32, #tpu.memory_space<hbm>>
          %dma_wait3A_135 = arith.constant 0 : i32
          %dma_wait3A_136 = tpu.memref_slice %arg8[%run_scoped3A_113, %run_scoped3A_114, %dma_wait3A_135] : memref<2x32x1024xf32, #tpu.memory_space<vmem>> -> memref<1x1x1024xf32, #tpu.memory_space<vmem>>
          %dma_wait3A_137 = tpu.memref_squeeze %dma_wait3A_136 : memref<1x1x1024xf32, #tpu.memory_space<vmem>> -> memref<1024xf32, #tpu.memory_space<vmem>>
          tpu.wait_dma2 semaphore(%run_scoped3A_115 : memref<!tpu.dma_semaphore, #tpu.memory_space<semaphore_mem>>) src(%dma_wait3A_137 : memref<1024xf32, #tpu.memory_space<vmem>>) dst(%dma_wait3A_134 : memref<1024xf32, #tpu.memory_space<hbm>>)
          tpu.yield
        }) : () -> ()
      }
      %scan3A = arith.constant 0 : i32
      %scan3A_40 = arith.constant 0 : i32
      %scan3A_41 = arith.constant 2048 : i32
      %scan3A_42 = arith.addi %scan3A_40, %scan3A_41 : i32
      %scan3A_43 = arith.constant 1 : i32
      scf.for %scan3A_106 = %scan3A_40 to %scan3A_42 step %scan3A_43  : i32 {
        %jit3A_107 = arith.constant 64 : i32
        %div3A_108 = arith.divsi %scan3A_106, %jit3A_107 : i32
        %sign3A_109 = arith.constant 0 : i32
        %sign3A_110 = arith.cmpi sgt, %scan3A_106, %sign3A_109 : i32
        %sign3A_111 = arith.extui %sign3A_110 : i1 to i32
        %sign3A_112 = arith.constant 0 : i32
        %sign3A_113 = arith.cmpi slt, %scan3A_106, %sign3A_112 : i32
        %sign3A_114 = arith.extui %sign3A_113 : i1 to i32
        %sign3A_115 = arith.subi %sign3A_111, %sign3A_114 : i32
        %sign3A_116 = arith.constant 0 : i32
        %sign3A_117 = arith.cmpi sgt, %jit3A_107, %sign3A_116 : i32
        %sign3A_118 = arith.extui %sign3A_117 : i1 to i32
        %sign3A_119 = arith.constant 0 : i32
        %sign3A_120 = arith.cmpi slt, %jit3A_107, %sign3A_119 : i32
        %sign3A_121 = arith.extui %sign3A_120 : i1 to i32
        %sign3A_122 = arith.subi %sign3A_118, %sign3A_121 : i32
        %ne3A_123 = arith.cmpi ne, %sign3A_115, %sign3A_122 : i32
        %rem3A_124 = arith.remsi %scan3A_106, %jit3A_107 : i32
        %ne3A_125 = arith.constant 0 : i32
        %ne3A_126 = arith.cmpi ne, %rem3A_124, %ne3A_125 : i32
        %and3A_127 = arith.andi %ne3A_123, %ne3A_126 : i1
        %sub3A_128 = arith.constant 1 : i32
        %sub3A_129 = arith.subi %div3A_108, %sub3A_128 : i32
        %select_n3A_130 = arith.select %and3A_127, %sub3A_129, %div3A_108 : i32
        %jit3A_131 = arith.constant 64 : i32
        %eq3A_132 = arith.constant 0 : i32
        %eq3A_133 = arith.cmpi eq, %jit3A_131, %eq3A_132 : i32
        %jit3A_134 = arith.constant 1 : i32
        %select_n3A_135 = arith.select %eq3A_133, %jit3A_134, %jit3A_131 : i32
        %rem3A_136 = arith.remsi %scan3A_106, %select_n3A_135 : i32
        %ne3A_137 = arith.constant 0 : i32
        %ne3A_138 = arith.cmpi ne, %rem3A_136, %ne3A_137 : i32
        %lt3A = arith.constant 0 : i32
        %lt3A_139 = arith.cmpi slt, %rem3A_136, %lt3A : i32
        %lt3A_140 = arith.constant 0 : i32
        %lt3A_141 = arith.cmpi slt, %select_n3A_135, %lt3A_140 : i32
        %ne3A_142 = arith.xori %lt3A_139, %lt3A_141 : i1
        %and3A_143 = arith.andi %ne3A_142, %ne3A_138 : i1
        %add3A_144 = arith.addi %rem3A_136, %select_n3A_135 : i32
        %select_n3A_145 = arith.select %and3A_143, %add3A_144, %rem3A_136 : i32
        %mul3A_146 = arith.constant 16 : i32
        %mul3A_147 = arith.muli %select_n3A_145, %mul3A_146 : i32
        %broadcast_in_dim3A = arith.constant 0.000000e+00 : f32
        %broadcast_in_dim3A_148 = vector.broadcast %broadcast_in_dim3A : f32 to vector<16xf32>
        %swap3A = arith.index_cast %select_n3A_130 : i32 to index
        %swap3A_149 = arith.index_cast %mul3A_147 : i32 to index
        %swap3A_150 = tpu.vector_load %arg7[%swap3A, %swap3A_149] {strides = array<i32>} : memref<32x1024xf32, #tpu.memory_space<vmem>>, vector<1x16xf32>,
        %swap3A_151 = vector.shape_cast %swap3A_150 : vector<1x16xf32> to vector<16xf32>
        %swap3A_152 = vector.shape_cast %broadcast_in_dim3A_148 : vector<16xf32> to vector<1x16xf32>
        tpu.vector_store %arg7[%swap3A, %swap3A_149], %swap3A_152 {strides = array<i32>} : memref<32x1024xf32, #tpu.memory_space<vmem>>, vector<1x16xf32>,
      }
      %scan3A_44 = arith.constant 2048 : i32
      %add3A = arith.constant 2048 : i32
      %add3A_45 = arith.addi %squeeze3A, %add3A : i32
      %sub3A_46 = arith.constant 2048 : i32
      %sub3A_47 = arith.subi %sub3A_46, %squeeze3A : i32
      %jit3A_48 = arith.constant 32 : i32
      %div3A_49 = arith.divsi %sub3A_47, %jit3A_48 : i32
      %sign3A_50 = arith.constant 0 : i32
      %sign3A_51 = arith.cmpi sgt, %sub3A_47, %sign3A_50 : i32
      %sign3A_52 = arith.extui %sign3A_51 : i1 to i32
      %sign3A_53 = arith.constant 0 : i32
      %sign3A_54 = arith.cmpi slt, %sub3A_47, %sign3A_53 : i32
      %sign3A_55 = arith.extui %sign3A_54 : i1 to i32
      %sign3A_56 = arith.subi %sign3A_52, %sign3A_55 : i32
      %sign3A_57 = arith.constant 0 : i32
      %sign3A_58 = arith.cmpi sgt, %jit3A_48, %sign3A_57 : i32
      %sign3A_59 = arith.extui %sign3A_58 : i1 to i32
      %sign3A_60 = arith.constant 0 : i32
      %sign3A_61 = arith.cmpi slt, %jit3A_48, %sign3A_60 : i32
      %sign3A_62 = arith.extui %sign3A_61 : i1 to i32
      %sign3A_63 = arith.subi %sign3A_59, %sign3A_62 : i32
      %ne3A_64 = arith.cmpi ne, %sign3A_56, %sign3A_63 : i32
      %rem3A_65 = arith.remsi %sub3A_47, %jit3A_48 : i32
      %ne3A_66 = arith.constant 0 : i32
      %ne3A_67 = arith.cmpi ne, %rem3A_65, %ne3A_66 : i32
      %and3A_68 = arith.andi %ne3A_64, %ne3A_67 : i1
      %sub3A_69 = arith.constant 1 : i32
      %sub3A_70 = arith.subi %div3A_49, %sub3A_69 : i32
      %select_n3A_71 = arith.select %and3A_68, %sub3A_70, %div3A_49 : i32
      %while3A_72 = arith.constant 0 : i32
      %while3A_73 = arith.constant 0 : i32
      %while3A_74 = arith.subi %select_n3A_71, %while3A_73 : i32
      %while3A_75 = arith.addi %while3A_73, %while3A_74 : i32
      %while3A_76 = arith.constant 1 : i32
      %while3A_77 = arith.divsi %while3A_74, %while3A_76 : i32
      %while3A_78 = arith.muli %while3A_77, %while3A_76 : i32
      %while3A_79 = arith.addi %while3A_73, %while3A_78 : i32
      %while3A_80 = arith.constant 1 : i32
      scf.for %while3A_106 = %while3A_73 to %while3A_79 step %while3A_80  : i32 {
        %ge3A = arith.constant 8 : i32
        %ge3A_107 = arith.cmpi sge, %while3A_106, %ge3A : i32
        %convert_element_type3A_108 = arith.extui %ge3A_107 : i1 to i32
        %cond3A_109 = arith.constant 0 : i32
        %cond3A_110 = arith.cmpi ne, %convert_element_type3A_108, %cond3A_109 : i32
        scf.if %cond3A_110 {
          %dma_wait3A = arith.constant 0 : i32
          %dma_wait3A_119 = tpu.memref_slice %arg5[%add3A_45, %arg1, %dma_wait3A] : memref<4096x16x1024xf32, #tpu.memory_space<hbm>> -> memref<32x1x1024xf32, #tpu.memory_space<hbm>>
          %dma_wait3A_120 = tpu.memref_squeeze %dma_wait3A_119 : memref<32x1x1024xf32, #tpu.memory_space<hbm>> -> memref<32x1024xf32, #tpu.memory_space<hbm>>
          %dma_wait3A_121 = arith.constant 0 : i32
          %dma_wait3A_122 = tpu.memref_slice %arg5[%add3A_45, %arg1, %dma_wait3A_121] : memref<4096x16x1024xf32, #tpu.memory_space<hbm>> -> memref<32x1x1024xf32, #tpu.memory_space<hbm>>
          %dma_wait3A_123 = tpu.memref_squeeze %dma_wait3A_122 : memref<32x1x1024xf32, #tpu.memory_space<hbm>> -> memref<32x1024xf32, #tpu.memory_space<hbm>>
          tpu.wait_dma2 semaphore(%arg11 : memref<!tpu.dma_semaphore, #tpu.memory_space<semaphore_mem>>) src(%arg7 : memref<32x1024xf32, #tpu.memory_space<vmem>>) dst(%dma_wait3A_123 : memref<32x1024xf32, #tpu.memory_space<hbm>>)
        } else {
        }
        %mul3A_111 = arith.constant 32 : i32
        %mul3A_112 = arith.muli %while3A_106, %mul3A_111 : i32
        %add3A_113 = arith.addi %add3A_45, %mul3A_112 : i32
        %dma_start3A = arith.constant 0 : i32
        %dma_start3A_114 = tpu.memref_slice %arg5[%add3A_113, %arg1, %dma_start3A] : memref<4096x16x1024xf32, #tpu.memory_space<hbm>> -> memref<32x1x1024xf32, #tpu.memory_space<hbm>>
        %dma_start3A_115 = tpu.memref_squeeze %dma_start3A_114 : memref<32x1x1024xf32, #tpu.memory_space<hbm>> -> memref<32x1024xf32, #tpu.memory_space<hbm>>
        %dma_start3A_116 = arith.constant 0 : i32
        %dma_start3A_117 = tpu.memref_slice %arg5[%add3A_113, %arg1, %dma_start3A_116] : memref<4096x16x1024xf32, #tpu.memory_space<hbm>> -> memref<32x1x1024xf32, #tpu.memory_space<hbm>>
        %dma_start3A_118 = tpu.memref_squeeze %dma_start3A_117 : memref<32x1x1024xf32, #tpu.memory_space<hbm>> -> memref<32x1024xf32, #tpu.memory_space<hbm>>
        tpu.enqueue_dma source(%arg7 : memref<32x1024xf32, #tpu.memory_space<vmem>>) target(%dma_start3A_118 : memref<32x1024xf32, #tpu.memory_space<hbm>>) target_semaphore(%arg11 : memref<!tpu.dma_semaphore, #tpu.memory_space<semaphore_mem>>)
      }
      %while3A_81 = arith.constant 1 : i32
      scf.for %while3A_106 = %while3A_79 to %while3A_75 step %while3A_81  : i32 {
        %ge3A = arith.constant 8 : i32
        %ge3A_107 = arith.cmpi sge, %while3A_106, %ge3A : i32
        %convert_element_type3A_108 = arith.extui %ge3A_107 : i1 to i32
        %cond3A_109 = arith.constant 0 : i32
        %cond3A_110 = arith.cmpi ne, %convert_element_type3A_108, %cond3A_109 : i32
        scf.if %cond3A_110 {
          %dma_wait3A = arith.constant 0 : i32
          %dma_wait3A_119 = tpu.memref_slice %arg5[%add3A_45, %arg1, %dma_wait3A] : memref<4096x16x1024xf32, #tpu.memory_space<hbm>> -> memref<32x1x1024xf32, #tpu.memory_space<hbm>>
          %dma_wait3A_120 = tpu.memref_squeeze %dma_wait3A_119 : memref<32x1x1024xf32, #tpu.memory_space<hbm>> -> memref<32x1024xf32, #tpu.memory_space<hbm>>
          %dma_wait3A_121 = arith.constant 0 : i32
          %dma_wait3A_122 = tpu.memref_slice %arg5[%add3A_45, %arg1, %dma_wait3A_121] : memref<4096x16x1024xf32, #tpu.memory_space<hbm>> -> memref<32x1x1024xf32, #tpu.memory_space<hbm>>
          %dma_wait3A_123 = tpu.memref_squeeze %dma_wait3A_122 : memref<32x1x1024xf32, #tpu.memory_space<hbm>> -> memref<32x1024xf32, #tpu.memory_space<hbm>>
          tpu.wait_dma2 semaphore(%arg11 : memref<!tpu.dma_semaphore, #tpu.memory_space<semaphore_mem>>) src(%arg7 : memref<32x1024xf32, #tpu.memory_space<vmem>>) dst(%dma_wait3A_123 : memref<32x1024xf32, #tpu.memory_space<hbm>>)
        } else {
        }
        %mul3A_111 = arith.constant 32 : i32
        %mul3A_112 = arith.muli %while3A_106, %mul3A_111 : i32
        %add3A_113 = arith.addi %add3A_45, %mul3A_112 : i32
        %dma_start3A = arith.constant 0 : i32
        %dma_start3A_114 = tpu.memref_slice %arg5[%add3A_113, %arg1, %dma_start3A] : memref<4096x16x1024xf32, #tpu.memory_space<hbm>> -> memref<32x1x1024xf32, #tpu.memory_space<hbm>>
        %dma_start3A_115 = tpu.memref_squeeze %dma_start3A_114 : memref<32x1x1024xf32, #tpu.memory_space<hbm>> -> memref<32x1024xf32, #tpu.memory_space<hbm>>
        %dma_start3A_116 = arith.constant 0 : i32
        %dma_start3A_117 = tpu.memref_slice %arg5[%add3A_113, %arg1, %dma_start3A_116] : memref<4096x16x1024xf32, #tpu.memory_space<hbm>> -> memref<32x1x1024xf32, #tpu.memory_space<hbm>>
        %dma_start3A_118 = tpu.memref_squeeze %dma_start3A_117 : memref<32x1x1024xf32, #tpu.memory_space<hbm>> -> memref<32x1024xf32, #tpu.memory_space<hbm>>
        tpu.enqueue_dma source(%arg7 : memref<32x1024xf32, #tpu.memory_space<vmem>>) target(%dma_start3A_118 : memref<32x1024xf32, #tpu.memory_space<hbm>>) target_semaphore(%arg11 : memref<!tpu.dma_semaphore, #tpu.memory_space<semaphore_mem>>)
      }
      %min3A = arith.constant 8 : i32
      %min3A_82 = arith.minsi %select_n3A_71, %min3A : i32
      %while3A_83 = arith.constant 0 : i32
      %while3A_84 = arith.constant 0 : i32
      %while3A_85 = arith.subi %min3A_82, %while3A_84 : i32
      %while3A_86 = arith.addi %while3A_84, %while3A_85 : i32
      %while3A_87 = arith.constant 1 : i32
      %while3A_88 = arith.divsi %while3A_85, %while3A_87 : i32
      %while3A_89 = arith.muli %while3A_88, %while3A_87 : i32
      %while3A_90 = arith.addi %while3A_84, %while3A_89 : i32
      %while3A_91 = arith.constant 1 : i32
      scf.for %while3A_106 = %while3A_84 to %while3A_90 step %while3A_91  : i32 {
        %dma_wait3A = arith.constant 0 : i32
        %dma_wait3A_107 = tpu.memref_slice %arg5[%add3A_45, %arg1, %dma_wait3A] : memref<4096x16x1024xf32, #tpu.memory_space<hbm>> -> memref<32x1x1024xf32, #tpu.memory_space<hbm>>
        %dma_wait3A_108 = tpu.memref_squeeze %dma_wait3A_107 : memref<32x1x1024xf32, #tpu.memory_space<hbm>> -> memref<32x1024xf32, #tpu.memory_space<hbm>>
        %dma_wait3A_109 = arith.constant 0 : i32
        %dma_wait3A_110 = tpu.memref_slice %arg5[%add3A_45, %arg1, %dma_wait3A_109] : memref<4096x16x1024xf32, #tpu.memory_space<hbm>> -> memref<32x1x1024xf32, #tpu.memory_space<hbm>>
        %dma_wait3A_111 = tpu.memref_squeeze %dma_wait3A_110 : memref<32x1x1024xf32, #tpu.memory_space<hbm>> -> memref<32x1024xf32, #tpu.memory_space<hbm>>
        tpu.wait_dma2 semaphore(%arg11 : memref<!tpu.dma_semaphore, #tpu.memory_space<semaphore_mem>>) src(%arg7 : memref<32x1024xf32, #tpu.memory_space<vmem>>) dst(%dma_wait3A_111 : memref<32x1024xf32, #tpu.memory_space<hbm>>)
      }
      %while3A_92 = arith.constant 1 : i32
      scf.for %while3A_106 = %while3A_90 to %while3A_86 step %while3A_92  : i32 {
        %dma_wait3A = arith.constant 0 : i32
        %dma_wait3A_107 = tpu.memref_slice %arg5[%add3A_45, %arg1, %dma_wait3A] : memref<4096x16x1024xf32, #tpu.memory_space<hbm>> -> memref<32x1x1024xf32, #tpu.memory_space<hbm>>
        %dma_wait3A_108 = tpu.memref_squeeze %dma_wait3A_107 : memref<32x1x1024xf32, #tpu.memory_space<hbm>> -> memref<32x1024xf32, #tpu.memory_space<hbm>>
        %dma_wait3A_109 = arith.constant 0 : i32
        %dma_wait3A_110 = tpu.memref_slice %arg5[%add3A_45, %arg1, %dma_wait3A_109] : memref<4096x16x1024xf32, #tpu.memory_space<hbm>> -> memref<32x1x1024xf32, #tpu.memory_space<hbm>>
        %dma_wait3A_111 = tpu.memref_squeeze %dma_wait3A_110 : memref<32x1x1024xf32, #tpu.memory_space<hbm>> -> memref<32x1024xf32, #tpu.memory_space<hbm>>
        tpu.wait_dma2 semaphore(%arg11 : memref<!tpu.dma_semaphore, #tpu.memory_space<semaphore_mem>>) src(%arg7 : memref<32x1024xf32, #tpu.memory_space<vmem>>) dst(%dma_wait3A_111 : memref<32x1024xf32, #tpu.memory_space<hbm>>)
      }
      %mul3A_93 = arith.constant 32 : i32
      %mul3A_94 = arith.muli %select_n3A_71, %mul3A_93 : i32
      %sub3A_95 = arith.subi %sub3A_47, %mul3A_94 : i32
      %while3A_96 = arith.constant 0 : i32
      %while3A_97 = arith.constant 0 : i32
      %while3A_98 = arith.subi %sub3A_95, %while3A_97 : i32
      %while3A_99 = arith.addi %while3A_97, %while3A_98 : i32
      %while3A_100 = arith.constant 1 : i32
      %while3A_101 = arith.divsi %while3A_98, %while3A_100 : i32
      %while3A_102 = arith.muli %while3A_101, %while3A_100 : i32
      %while3A_103 = arith.addi %while3A_97, %while3A_102 : i32
      %while3A_104 = arith.constant 1 : i32
      scf.for %while3A_106 = %while3A_97 to %while3A_103 step %while3A_104  : i32 {
        %mul3A_107 = arith.constant 32 : i32
        %mul3A_108 = arith.muli %select_n3A_71, %mul3A_107 : i32
        %add3A_109 = arith.addi %add3A_45, %mul3A_108 : i32
        %add3A_110 = arith.addi %add3A_109, %while3A_106 : i32
        %run_scoped3A = arith.constant 0 : i32
        "tpu.region"() ({
          %run_scoped3A_111 = tpu.sem_alloc : memref<!tpu.dma_semaphore, #tpu.memory_space<semaphore_mem>>
          %dma_start3A = arith.constant 0 : i32
          %dma_start3A_112 = tpu.memref_slice %arg7[%run_scoped3A, %dma_start3A] : memref<32x1024xf32, #tpu.memory_space<vmem>> -> memref<1x1024xf32, #tpu.memory_space<vmem>>
          %dma_start3A_113 = tpu.memref_squeeze %dma_start3A_112 : memref<1x1024xf32, #tpu.memory_space<vmem>> -> memref<1024xf32, #tpu.memory_space<vmem>>
          %dma_start3A_114 = arith.constant 0 : i32
          %dma_start3A_115 = tpu.memref_slice %arg5[%add3A_110, %arg1, %dma_start3A_114] : memref<4096x16x1024xf32, #tpu.memory_space<hbm>> -> memref<1x1x1024xf32, #tpu.memory_space<hbm>>
          %dma_start3A_116 = tpu.memref_squeeze %dma_start3A_115 : memref<1x1x1024xf32, #tpu.memory_space<hbm>> -> memref<1024xf32, #tpu.memory_space<hbm>>
          %dma_start3A_117 = arith.constant 0 : i32
          %dma_start3A_118 = tpu.memref_slice %arg5[%add3A_110, %arg1, %dma_start3A_117] : memref<4096x16x1024xf32, #tpu.memory_space<hbm>> -> memref<1x1x1024xf32, #tpu.memory_space<hbm>>
          %dma_start3A_119 = tpu.memref_squeeze %dma_start3A_118 : memref<1x1x1024xf32, #tpu.memory_space<hbm>> -> memref<1024xf32, #tpu.memory_space<hbm>>
          %dma_start3A_120 = arith.constant 0 : i32
          %dma_start3A_121 = tpu.memref_slice %arg7[%run_scoped3A, %dma_start3A_120] : memref<32x1024xf32, #tpu.memory_space<vmem>> -> memref<1x1024xf32, #tpu.memory_space<vmem>>
          %dma_start3A_122 = tpu.memref_squeeze %dma_start3A_121 : memref<1x1024xf32, #tpu.memory_space<vmem>> -> memref<1024xf32, #tpu.memory_space<vmem>>
          tpu.enqueue_dma source(%dma_start3A_122 : memref<1024xf32, #tpu.memory_space<vmem>>) target(%dma_start3A_119 : memref<1024xf32, #tpu.memory_space<hbm>>) target_semaphore(%run_scoped3A_111 : memref<!tpu.dma_semaphore, #tpu.memory_space<semaphore_mem>>)
          %dma_wait3A = arith.constant 0 : i32
          %dma_wait3A_123 = tpu.memref_slice %arg7[%run_scoped3A, %dma_wait3A] : memref<32x1024xf32, #tpu.memory_space<vmem>> -> memref<1x1024xf32, #tpu.memory_space<vmem>>
          %dma_wait3A_124 = tpu.memref_squeeze %dma_wait3A_123 : memref<1x1024xf32, #tpu.memory_space<vmem>> -> memref<1024xf32, #tpu.memory_space<vmem>>
          %dma_wait3A_125 = arith.constant 0 : i32
          %dma_wait3A_126 = tpu.memref_slice %arg5[%add3A_110, %arg1, %dma_wait3A_125] : memref<4096x16x1024xf32, #tpu.memory_space<hbm>> -> memref<1x1x1024xf32, #tpu.memory_space<hbm>>
          %dma_wait3A_127 = tpu.memref_squeeze %dma_wait3A_126 : memref<1x1x1024xf32, #tpu.memory_space<hbm>> -> memref<1024xf32, #tpu.memory_space<hbm>>
          %dma_wait3A_128 = arith.constant 0 : i32
          %dma_wait3A_129 = tpu.memref_slice %arg5[%add3A_110, %arg1, %dma_wait3A_128] : memref<4096x16x1024xf32, #tpu.memory_space<hbm>> -> memref<1x1x1024xf32, #tpu.memory_space<hbm>>
          %dma_wait3A_130 = tpu.memref_squeeze %dma_wait3A_129 : memref<1x1x1024xf32, #tpu.memory_space<hbm>> -> memref<1024xf32, #tpu.memory_space<hbm>>
          %dma_wait3A_131 = arith.constant 0 : i32
          %dma_wait3A_132 = tpu.memref_slice %arg7[%run_scoped3A, %dma_wait3A_131] : memref<32x1024xf32, #tpu.memory_space<vmem>> -> memref<1x1024xf32, #tpu.memory_space<vmem>>
          %dma_wait3A_133 = tpu.memref_squeeze %dma_wait3A_132 : memref<1x1024xf32, #tpu.memory_space<vmem>> -> memref<1024xf32, #tpu.memory_space<vmem>>
          tpu.wait_dma2 semaphore(%run_scoped3A_111 : memref<!tpu.dma_semaphore, #tpu.memory_space<semaphore_mem>>) src(%dma_wait3A_133 : memref<1024xf32, #tpu.memory_space<vmem>>) dst(%dma_wait3A_130 : memref<1024xf32, #tpu.memory_space<hbm>>)
          tpu.yield
        }) : () -> ()
      }
      %while3A_105 = arith.constant 1 : i32
      scf.for %while3A_106 = %while3A_103 to %while3A_99 step %while3A_105  : i32 {
        %mul3A_107 = arith.constant 32 : i32
        %mul3A_108 = arith.muli %select_n3A_71, %mul3A_107 : i32
        %add3A_109 = arith.addi %add3A_45, %mul3A_108 : i32
        %add3A_110 = arith.addi %add3A_109, %while3A_106 : i32
        %run_scoped3A = arith.constant 0 : i32
        "tpu.region"() ({
          %run_scoped3A_111 = tpu.sem_alloc : memref<!tpu.dma_semaphore, #tpu.memory_space<semaphore_mem>>
          %dma_start3A = arith.constant 0 : i32
          %dma_start3A_112 = tpu.memref_slice %arg7[%run_scoped3A, %dma_start3A] : memref<32x1024xf32, #tpu.memory_space<vmem>> -> memref<1x1024xf32, #tpu.memory_space<vmem>>
          %dma_start3A_113 = tpu.memref_squeeze %dma_start3A_112 : memref<1x1024xf32, #tpu.memory_space<vmem>> -> memref<1024xf32, #tpu.memory_space<vmem>>
          %dma_start3A_114 = arith.constant 0 : i32
          %dma_start3A_115 = tpu.memref_slice %arg5[%add3A_110, %arg1, %dma_start3A_114] : memref<4096x16x1024xf32, #tpu.memory_space<hbm>> -> memref<1x1x1024xf32, #tpu.memory_space<hbm>>
          %dma_start3A_116 = tpu.memref_squeeze %dma_start3A_115 : memref<1x1x1024xf32, #tpu.memory_space<hbm>> -> memref<1024xf32, #tpu.memory_space<hbm>>
          %dma_start3A_117 = arith.constant 0 : i32
          %dma_start3A_118 = tpu.memref_slice %arg5[%add3A_110, %arg1, %dma_start3A_117] : memref<4096x16x1024xf32, #tpu.memory_space<hbm>> -> memref<1x1x1024xf32, #tpu.memory_space<hbm>>
          %dma_start3A_119 = tpu.memref_squeeze %dma_start3A_118 : memref<1x1x1024xf32, #tpu.memory_space<hbm>> -> memref<1024xf32, #tpu.memory_space<hbm>>
          %dma_start3A_120 = arith.constant 0 : i32
          %dma_start3A_121 = tpu.memref_slice %arg7[%run_scoped3A, %dma_start3A_120] : memref<32x1024xf32, #tpu.memory_space<vmem>> -> memref<1x1024xf32, #tpu.memory_space<vmem>>
          %dma_start3A_122 = tpu.memref_squeeze %dma_start3A_121 : memref<1x1024xf32, #tpu.memory_space<vmem>> -> memref<1024xf32, #tpu.memory_space<vmem>>
          tpu.enqueue_dma source(%dma_start3A_122 : memref<1024xf32, #tpu.memory_space<vmem>>) target(%dma_start3A_119 : memref<1024xf32, #tpu.memory_space<hbm>>) target_semaphore(%run_scoped3A_111 : memref<!tpu.dma_semaphore, #tpu.memory_space<semaphore_mem>>)
          %dma_wait3A = arith.constant 0 : i32
          %dma_wait3A_123 = tpu.memref_slice %arg7[%run_scoped3A, %dma_wait3A] : memref<32x1024xf32, #tpu.memory_space<vmem>> -> memref<1x1024xf32, #tpu.memory_space<vmem>>
          %dma_wait3A_124 = tpu.memref_squeeze %dma_wait3A_123 : memref<1x1024xf32, #tpu.memory_space<vmem>> -> memref<1024xf32, #tpu.memory_space<vmem>>
          %dma_wait3A_125 = arith.constant 0 : i32
          %dma_wait3A_126 = tpu.memref_slice %arg5[%add3A_110, %arg1, %dma_wait3A_125] : memref<4096x16x1024xf32, #tpu.memory_space<hbm>> -> memref<1x1x1024xf32, #tpu.memory_space<hbm>>
          %dma_wait3A_127 = tpu.memref_squeeze %dma_wait3A_126 : memref<1x1x1024xf32, #tpu.memory_space<hbm>> -> memref<1024xf32, #tpu.memory_space<hbm>>
          %dma_wait3A_128 = arith.constant 0 : i32
          %dma_wait3A_129 = tpu.memref_slice %arg5[%add3A_110, %arg1, %dma_wait3A_128] : memref<4096x16x1024xf32, #tpu.memory_space<hbm>> -> memref<1x1x1024xf32, #tpu.memory_space<hbm>>
          %dma_wait3A_130 = tpu.memref_squeeze %dma_wait3A_129 : memref<1x1x1024xf32, #tpu.memory_space<hbm>> -> memref<1024xf32, #tpu.memory_space<hbm>>
          %dma_wait3A_131 = arith.constant 0 : i32
          %dma_wait3A_132 = tpu.memref_slice %arg7[%run_scoped3A, %dma_wait3A_131] : memref<32x1024xf32, #tpu.memory_space<vmem>> -> memref<1x1024xf32, #tpu.memory_space<vmem>>
          %dma_wait3A_133 = tpu.memref_squeeze %dma_wait3A_132 : memref<1x1024xf32, #tpu.memory_space<vmem>> -> memref<1024xf32, #tpu.memory_space<vmem>>
          tpu.wait_dma2 semaphore(%run_scoped3A_111 : memref<!tpu.dma_semaphore, #tpu.memory_space<semaphore_mem>>) src(%dma_wait3A_133 : memref<1024xf32, #tpu.memory_space<vmem>>) dst(%dma_wait3A_130 : memref<1024xf32, #tpu.memory_space<hbm>>)
          tpu.yield
        }) : () -> ()
      }
    } else {
    }
    %eq3A_4 = arith.constant 1 : i32
    %eq3A_5 = arith.cmpi eq, %arg0, %eq3A_4 : i32
    %convert_element_type3A_6 = arith.extui %eq3A_5 : i1 to i32
    %cond3A_7 = arith.constant 0 : i32
    %cond3A_8 = arith.cmpi ne, %convert_element_type3A_6, %cond3A_7 : i32
    scf.if %cond3A_8 {
      %dma_start3A = arith.constant 0 : i32
      %dma_start3A_9 = arith.constant 0 : i32
      %dma_start3A_10 = arith.constant 0 : i32
      %dma_start3A_11 = arith.constant 0 : i32
      %dma_start3A_12 = tpu.memref_slice %arg8[%dma_start3A, %dma_start3A_10, %dma_start3A_11] : memref<2x32x1024xf32, #tpu.memory_space<vmem>> -> memref<1x32x1024xf32, #tpu.memory_space<vmem>>
      %dma_start3A_13 = tpu.memref_squeeze %dma_start3A_12 : memref<1x32x1024xf32, #tpu.memory_space<vmem>> -> memref<32x1024xf32, #tpu.memory_space<vmem>>
      %dma_start3A_14 = arith.constant 0 : i32
      %dma_start3A_15 = arith.constant 0 : i32
      %dma_start3A_16 = tpu.memref_slice %arg3[%dma_start3A_14, %arg1, %dma_start3A_15] : memref<2048x16x1024xf32, #tpu.memory_space<hbm>> -> memref<32x1x1024xf32, #tpu.memory_space<hbm>>
      %dma_start3A_17 = tpu.memref_squeeze %dma_start3A_16 : memref<32x1x1024xf32, #tpu.memory_space<hbm>> -> memref<32x1024xf32, #tpu.memory_space<hbm>>
      %dma_start3A_18 = tpu.memref_slice %arg9[%dma_start3A_9] : memref<2x!tpu.dma_semaphore, #tpu.memory_space<semaphore_mem>> -> memref<1x!tpu.dma_semaphore, #tpu.memory_space<semaphore_mem>>
      %dma_start3A_19 = tpu.memref_squeeze %dma_start3A_18 : memref<1x!tpu.dma_semaphore, #tpu.memory_space<semaphore_mem>> -> memref<!tpu.dma_semaphore, #tpu.memory_space<semaphore_mem>>
      %dma_start3A_20 = arith.constant 0 : i32
      %dma_start3A_21 = arith.constant 0 : i32
      %dma_start3A_22 = tpu.memref_slice %arg8[%dma_start3A, %dma_start3A_20, %dma_start3A_21] : memref<2x32x1024xf32, #tpu.memory_space<vmem>> -> memref<1x32x1024xf32, #tpu.memory_space<vmem>>
      %dma_start3A_23 = tpu.memref_squeeze %dma_start3A_22 : memref<1x32x1024xf32, #tpu.memory_space<vmem>> -> memref<32x1024xf32, #tpu.memory_space<vmem>>
      %dma_start3A_24 = arith.constant 0 : i32
      %dma_start3A_25 = arith.constant 0 : i32
      %dma_start3A_26 = tpu.memref_slice %arg3[%dma_start3A_24, %arg1, %dma_start3A_25] : memref<2048x16x1024xf32, #tpu.memory_space<hbm>> -> memref<32x1x1024xf32, #tpu.memory_space<hbm>>
      %dma_start3A_27 = tpu.memref_squeeze %dma_start3A_26 : memref<32x1x1024xf32, #tpu.memory_space<hbm>> -> memref<32x1024xf32, #tpu.memory_space<hbm>>
      tpu.enqueue_dma source(%dma_start3A_27 : memref<32x1024xf32, #tpu.memory_space<hbm>>) target(%dma_start3A_23 : memref<32x1024xf32, #tpu.memory_space<vmem>>) target_semaphore(%dma_start3A_19 : memref<!tpu.dma_semaphore, #tpu.memory_space<semaphore_mem>>)
      %scan3A = arith.constant 0 : i32
      %scan3A_28 = arith.constant 0 : i32
      %scan3A_29 = arith.constant 64 : i32
      %scan3A_30 = arith.addi %scan3A_28, %scan3A_29 : i32
      %scan3A_31 = arith.constant 1 : i32
      scf.for %scan3A_56 = %scan3A_28 to %scan3A_30 step %scan3A_31  : i32 {
        %jit3A = arith.constant 2 : i32
        %eq3A_57 = arith.constant 0 : i32
        %eq3A_58 = arith.cmpi eq, %jit3A, %eq3A_57 : i32
        %jit3A_59 = arith.constant 1 : i32
        %select_n3A = arith.select %eq3A_58, %jit3A_59, %jit3A : i32
        %rem3A = arith.remsi %scan3A_56, %select_n3A : i32
        %ne3A = arith.constant 0 : i32
        %ne3A_60 = arith.cmpi ne, %rem3A, %ne3A : i32
        %lt3A = arith.constant 0 : i32
        %lt3A_61 = arith.cmpi slt, %rem3A, %lt3A : i32
        %lt3A_62 = arith.constant 0 : i32
        %lt3A_63 = arith.cmpi slt, %select_n3A, %lt3A_62 : i32
        %ne3A_64 = arith.xori %lt3A_61, %lt3A_63 : i1
        %and3A = arith.andi %ne3A_64, %ne3A_60 : i1
        %add3A_65 = arith.addi %rem3A, %select_n3A : i32
        %select_n3A_66 = arith.select %and3A, %add3A_65, %rem3A : i32
        %mul3A = arith.constant 32 : i32
        %mul3A_67 = arith.muli %scan3A_56, %mul3A : i32
        %dma_wait3A_68 = arith.constant 0 : i32
        %dma_wait3A_69 = arith.constant 0 : i32
        %dma_wait3A_70 = tpu.memref_slice %arg8[%select_n3A_66, %dma_wait3A_68, %dma_wait3A_69] : memref<2x32x1024xf32, #tpu.memory_space<vmem>> -> memref<1x32x1024xf32, #tpu.memory_space<vmem>>
        %dma_wait3A_71 = tpu.memref_squeeze %dma_wait3A_70 : memref<1x32x1024xf32, #tpu.memory_space<vmem>> -> memref<32x1024xf32, #tpu.memory_space<vmem>>
        %dma_wait3A_72 = arith.constant 0 : i32
        %dma_wait3A_73 = tpu.memref_slice %arg3[%mul3A_67, %arg1, %dma_wait3A_72] : memref<2048x16x1024xf32, #tpu.memory_space<hbm>> -> memref<32x1x1024xf32, #tpu.memory_space<hbm>>
        %dma_wait3A_74 = tpu.memref_squeeze %dma_wait3A_73 : memref<32x1x1024xf32, #tpu.memory_space<hbm>> -> memref<32x1024xf32, #tpu.memory_space<hbm>>
        %dma_wait3A_75 = tpu.memref_slice %arg9[%select_n3A_66] : memref<2x!tpu.dma_semaphore, #tpu.memory_space<semaphore_mem>> -> memref<1x!tpu.dma_semaphore, #tpu.memory_space<semaphore_mem>>
        %dma_wait3A_76 = tpu.memref_squeeze %dma_wait3A_75 : memref<1x!tpu.dma_semaphore, #tpu.memory_space<semaphore_mem>> -> memref<!tpu.dma_semaphore, #tpu.memory_space<semaphore_mem>>
        %dma_wait3A_77 = arith.constant 0 : i32
        %dma_wait3A_78 = arith.constant 0 : i32
        %dma_wait3A_79 = tpu.memref_slice %arg8[%select_n3A_66, %dma_wait3A_77, %dma_wait3A_78] : memref<2x32x1024xf32, #tpu.memory_space<vmem>> -> memref<1x32x1024xf32, #tpu.memory_space<vmem>>
        %dma_wait3A_80 = tpu.memref_squeeze %dma_wait3A_79 : memref<1x32x1024xf32, #tpu.memory_space<vmem>> -> memref<32x1024xf32, #tpu.memory_space<vmem>>
        %dma_wait3A_81 = arith.constant 0 : i32
        %dma_wait3A_82 = tpu.memref_slice %arg3[%mul3A_67, %arg1, %dma_wait3A_81] : memref<2048x16x1024xf32, #tpu.memory_space<hbm>> -> memref<32x1x1024xf32, #tpu.memory_space<hbm>>
        %dma_wait3A_83 = tpu.memref_squeeze %dma_wait3A_82 : memref<32x1x1024xf32, #tpu.memory_space<hbm>> -> memref<32x1024xf32, #tpu.memory_space<hbm>>
        tpu.wait_dma2 semaphore(%dma_wait3A_76 : memref<!tpu.dma_semaphore, #tpu.memory_space<semaphore_mem>>) src(%dma_wait3A_83 : memref<32x1024xf32, #tpu.memory_space<hbm>>) dst(%dma_wait3A_80 : memref<32x1024xf32, #tpu.memory_space<vmem>>)
        %ge3A = arith.constant 1 : i32
        %ge3A_84 = arith.cmpi sge, %scan3A_56, %ge3A : i32
        %convert_element_type3A_85 = arith.extui %ge3A_84 : i1 to i32
        %cond3A_86 = arith.constant 0 : i32
        %cond3A_87 = arith.cmpi ne, %convert_element_type3A_85, %cond3A_86 : i32
        scf.if %cond3A_87 {
          %sub3A = arith.constant 1 : i32
          %sub3A_114 = arith.subi %scan3A_56, %sub3A : i32
          %sub3A_115 = arith.constant 1 : i32
          %sub3A_116 = arith.subi %sub3A_115, %select_n3A_66 : i32
          %mul3A_117 = arith.constant 32 : i32
          %mul3A_118 = arith.muli %sub3A_114, %mul3A_117 : i32
          %add3A_119 = arith.addi %squeeze3A, %mul3A_118 : i32
          %dma_wait3A_120 = arith.constant 0 : i32
          %dma_wait3A_121 = arith.constant 0 : i32
          %dma_wait3A_122 = tpu.memref_slice %arg8[%sub3A_116, %dma_wait3A_120, %dma_wait3A_121] : memref<2x32x1024xf32, #tpu.memory_space<vmem>> -> memref<1x32x1024xf32, #tpu.memory_space<vmem>>
          %dma_wait3A_123 = tpu.memref_squeeze %dma_wait3A_122 : memref<1x32x1024xf32, #tpu.memory_space<vmem>> -> memref<32x1024xf32, #tpu.memory_space<vmem>>
          %dma_wait3A_124 = arith.constant 0 : i32
          %dma_wait3A_125 = tpu.memref_slice %arg5[%add3A_119, %arg1, %dma_wait3A_124] : memref<4096x16x1024xf32, #tpu.memory_space<hbm>> -> memref<32x1x1024xf32, #tpu.memory_space<hbm>>
          %dma_wait3A_126 = tpu.memref_squeeze %dma_wait3A_125 : memref<32x1x1024xf32, #tpu.memory_space<hbm>> -> memref<32x1024xf32, #tpu.memory_space<hbm>>
          %dma_wait3A_127 = tpu.memref_slice %arg10[%sub3A_116] : memref<2x!tpu.dma_semaphore, #tpu.memory_space<semaphore_mem>> -> memref<1x!tpu.dma_semaphore, #tpu.memory_space<semaphore_mem>>
          %dma_wait3A_128 = tpu.memref_squeeze %dma_wait3A_127 : memref<1x!tpu.dma_semaphore, #tpu.memory_space<semaphore_mem>> -> memref<!tpu.dma_semaphore, #tpu.memory_space<semaphore_mem>>
          %dma_wait3A_129 = arith.constant 0 : i32
          %dma_wait3A_130 = tpu.memref_slice %arg5[%add3A_119, %arg1, %dma_wait3A_129] : memref<4096x16x1024xf32, #tpu.memory_space<hbm>> -> memref<32x1x1024xf32, #tpu.memory_space<hbm>>
          %dma_wait3A_131 = tpu.memref_squeeze %dma_wait3A_130 : memref<32x1x1024xf32, #tpu.memory_space<hbm>> -> memref<32x1024xf32, #tpu.memory_space<hbm>>
          %dma_wait3A_132 = arith.constant 0 : i32
          %dma_wait3A_133 = arith.constant 0 : i32
          %dma_wait3A_134 = tpu.memref_slice %arg8[%sub3A_116, %dma_wait3A_132, %dma_wait3A_133] : memref<2x32x1024xf32, #tpu.memory_space<vmem>> -> memref<1x32x1024xf32, #tpu.memory_space<vmem>>
          %dma_wait3A_135 = tpu.memref_squeeze %dma_wait3A_134 : memref<1x32x1024xf32, #tpu.memory_space<vmem>> -> memref<32x1024xf32, #tpu.memory_space<vmem>>
          tpu.wait_dma2 semaphore(%dma_wait3A_128 : memref<!tpu.dma_semaphore, #tpu.memory_space<semaphore_mem>>) src(%dma_wait3A_135 : memref<32x1024xf32, #tpu.memory_space<vmem>>) dst(%dma_wait3A_131 : memref<32x1024xf32, #tpu.memory_space<hbm>>)
        } else {
        }
        %add3A_88 = arith.constant 1 : i32
        %add3A_89 = arith.addi %scan3A_56, %add3A_88 : i32
        %lt3A_90 = arith.constant 64 : i32
        %lt3A_91 = arith.cmpi slt, %add3A_89, %lt3A_90 : i32
        %convert_element_type3A_92 = arith.extui %lt3A_91 : i1 to i32
        %cond3A_93 = arith.constant 0 : i32
        %cond3A_94 = arith.cmpi ne, %convert_element_type3A_92, %cond3A_93 : i32
        scf.if %cond3A_94 {
          %add3A_114 = arith.constant 1 : i32
          %add3A_115 = arith.addi %scan3A_56, %add3A_114 : i32
          %sub3A = arith.constant 1 : i32
          %sub3A_116 = arith.subi %sub3A, %select_n3A_66 : i32
          %mul3A_117 = arith.constant 32 : i32
          %mul3A_118 = arith.muli %add3A_115, %mul3A_117 : i32
          %dma_start3A_119 = arith.constant 0 : i32
          %dma_start3A_120 = arith.constant 0 : i32
          %dma_start3A_121 = tpu.memref_slice %arg8[%sub3A_116, %dma_start3A_119, %dma_start3A_120] : memref<2x32x1024xf32, #tpu.memory_space<vmem>> -> memref<1x32x1024xf32, #tpu.memory_space<vmem>>
          %dma_start3A_122 = tpu.memref_squeeze %dma_start3A_121 : memref<1x32x1024xf32, #tpu.memory_space<vmem>> -> memref<32x1024xf32, #tpu.memory_space<vmem>>
          %dma_start3A_123 = arith.constant 0 : i32
          %dma_start3A_124 = tpu.memref_slice %arg3[%mul3A_118, %arg1, %dma_start3A_123] : memref<2048x16x1024xf32, #tpu.memory_space<hbm>> -> memref<32x1x1024xf32, #tpu.memory_space<hbm>>
          %dma_start3A_125 = tpu.memref_squeeze %dma_start3A_124 : memref<32x1x1024xf32, #tpu.memory_space<hbm>> -> memref<32x1024xf32, #tpu.memory_space<hbm>>
          %dma_start3A_126 = tpu.memref_slice %arg9[%sub3A_116] : memref<2x!tpu.dma_semaphore, #tpu.memory_space<semaphore_mem>> -> memref<1x!tpu.dma_semaphore, #tpu.memory_space<semaphore_mem>>
          %dma_start3A_127 = tpu.memref_squeeze %dma_start3A_126 : memref<1x!tpu.dma_semaphore, #tpu.memory_space<semaphore_mem>> -> memref<!tpu.dma_semaphore, #tpu.memory_space<semaphore_mem>>
          %dma_start3A_128 = arith.constant 0 : i32
          %dma_start3A_129 = arith.constant 0 : i32
          %dma_start3A_130 = tpu.memref_slice %arg8[%sub3A_116, %dma_start3A_128, %dma_start3A_129] : memref<2x32x1024xf32, #tpu.memory_space<vmem>> -> memref<1x32x1024xf32, #tpu.memory_space<vmem>>
          %dma_start3A_131 = tpu.memref_squeeze %dma_start3A_130 : memref<1x32x1024xf32, #tpu.memory_space<vmem>> -> memref<32x1024xf32, #tpu.memory_space<vmem>>
          %dma_start3A_132 = arith.constant 0 : i32
          %dma_start3A_133 = tpu.memref_slice %arg3[%mul3A_118, %arg1, %dma_start3A_132] : memref<2048x16x1024xf32, #tpu.memory_space<hbm>> -> memref<32x1x1024xf32, #tpu.memory_space<hbm>>
          %dma_start3A_134 = tpu.memref_squeeze %dma_start3A_133 : memref<32x1x1024xf32, #tpu.memory_space<hbm>> -> memref<32x1024xf32, #tpu.memory_space<hbm>>
          tpu.enqueue_dma source(%dma_start3A_134 : memref<32x1024xf32, #tpu.memory_space<hbm>>) target(%dma_start3A_131 : memref<32x1024xf32, #tpu.memory_space<vmem>>) target_semaphore(%dma_start3A_127 : memref<!tpu.dma_semaphore, #tpu.memory_space<semaphore_mem>>)
        } else {
        }
        %mul3A_95 = arith.constant 32 : i32
        %mul3A_96 = arith.muli %scan3A_56, %mul3A_95 : i32
        %add3A_97 = arith.addi %squeeze3A, %mul3A_96 : i32
        %dma_start3A_98 = arith.constant 0 : i32
        %dma_start3A_99 = arith.constant 0 : i32
        %dma_start3A_100 = tpu.memref_slice %arg8[%select_n3A_66, %dma_start3A_98, %dma_start3A_99] : memref<2x32x1024xf32, #tpu.memory_space<vmem>> -> memref<1x32x1024xf32, #tpu.memory_space<vmem>>
        %dma_start3A_101 = tpu.memref_squeeze %dma_start3A_100 : memref<1x32x1024xf32, #tpu.memory_space<vmem>> -> memref<32x1024xf32, #tpu.memory_space<vmem>>
        %dma_start3A_102 = arith.constant 0 : i32
        %dma_start3A_103 = tpu.memref_slice %arg5[%add3A_97, %arg1, %dma_start3A_102] : memref<4096x16x1024xf32, #tpu.memory_space<hbm>> -> memref<32x1x1024xf32, #tpu.memory_space<hbm>>
        %dma_start3A_104 = tpu.memref_squeeze %dma_start3A_103 : memref<32x1x1024xf32, #tpu.memory_space<hbm>> -> memref<32x1024xf32, #tpu.memory_space<hbm>>
        %dma_start3A_105 = tpu.memref_slice %arg10[%select_n3A_66] : memref<2x!tpu.dma_semaphore, #tpu.memory_space<semaphore_mem>> -> memref<1x!tpu.dma_semaphore, #tpu.memory_space<semaphore_mem>>
        %dma_start3A_106 = tpu.memref_squeeze %dma_start3A_105 : memref<1x!tpu.dma_semaphore, #tpu.memory_space<semaphore_mem>> -> memref<!tpu.dma_semaphore, #tpu.memory_space<semaphore_mem>>
        %dma_start3A_107 = arith.constant 0 : i32
        %dma_start3A_108 = tpu.memref_slice %arg5[%add3A_97, %arg1, %dma_start3A_107] : memref<4096x16x1024xf32, #tpu.memory_space<hbm>> -> memref<32x1x1024xf32, #tpu.memory_space<hbm>>
        %dma_start3A_109 = tpu.memref_squeeze %dma_start3A_108 : memref<32x1x1024xf32, #tpu.memory_space<hbm>> -> memref<32x1024xf32, #tpu.memory_space<hbm>>
        %dma_start3A_110 = arith.constant 0 : i32
        %dma_start3A_111 = arith.constant 0 : i32
        %dma_start3A_112 = tpu.memref_slice %arg8[%select_n3A_66, %dma_start3A_110, %dma_start3A_111] : memref<2x32x1024xf32, #tpu.memory_space<vmem>> -> memref<1x32x1024xf32, #tpu.memory_space<vmem>>
        %dma_start3A_113 = tpu.memref_squeeze %dma_start3A_112 : memref<1x32x1024xf32, #tpu.memory_space<vmem>> -> memref<32x1024xf32, #tpu.memory_space<vmem>>
        tpu.enqueue_dma source(%dma_start3A_113 : memref<32x1024xf32, #tpu.memory_space<vmem>>) target(%dma_start3A_109 : memref<32x1024xf32, #tpu.memory_space<hbm>>) target_semaphore(%dma_start3A_106 : memref<!tpu.dma_semaphore, #tpu.memory_space<semaphore_mem>>)
      }
      %scan3A_32 = arith.constant 64 : i32
      %add3A = arith.constant 2016 : i32
      %add3A_33 = arith.addi %squeeze3A, %add3A : i32
      %dma_wait3A = arith.constant 1 : i32
      %dma_wait3A_34 = arith.constant 1 : i32
      %dma_wait3A_35 = arith.constant 0 : i32
      %dma_wait3A_36 = arith.constant 0 : i32
      %dma_wait3A_37 = tpu.memref_slice %arg8[%dma_wait3A, %dma_wait3A_35, %dma_wait3A_36] : memref<2x32x1024xf32, #tpu.memory_space<vmem>> -> memref<1x32x1024xf32, #tpu.memory_space<vmem>>
      %dma_wait3A_38 = tpu.memref_squeeze %dma_wait3A_37 : memref<1x32x1024xf32, #tpu.memory_space<vmem>> -> memref<32x1024xf32, #tpu.memory_space<vmem>>
      %dma_wait3A_39 = arith.constant 0 : i32
      %dma_wait3A_40 = tpu.memref_slice %arg5[%add3A_33, %arg1, %dma_wait3A_39] : memref<4096x16x1024xf32, #tpu.memory_space<hbm>> -> memref<32x1x1024xf32, #tpu.memory_space<hbm>>
      %dma_wait3A_41 = tpu.memref_squeeze %dma_wait3A_40 : memref<32x1x1024xf32, #tpu.memory_space<hbm>> -> memref<32x1024xf32, #tpu.memory_space<hbm>>
      %dma_wait3A_42 = tpu.memref_slice %arg10[%dma_wait3A_34] : memref<2x!tpu.dma_semaphore, #tpu.memory_space<semaphore_mem>> -> memref<1x!tpu.dma_semaphore, #tpu.memory_space<semaphore_mem>>
      %dma_wait3A_43 = tpu.memref_squeeze %dma_wait3A_42 : memref<1x!tpu.dma_semaphore, #tpu.memory_space<semaphore_mem>> -> memref<!tpu.dma_semaphore, #tpu.memory_space<semaphore_mem>>
      %dma_wait3A_44 = arith.constant 0 : i32
      %dma_wait3A_45 = tpu.memref_slice %arg5[%add3A_33, %arg1, %dma_wait3A_44] : memref<4096x16x1024xf32, #tpu.memory_space<hbm>> -> memref<32x1x1024xf32, #tpu.memory_space<hbm>>
      %dma_wait3A_46 = tpu.memref_squeeze %dma_wait3A_45 : memref<32x1x1024xf32, #tpu.memory_space<hbm>> -> memref<32x1024xf32, #tpu.memory_space<hbm>>
      %dma_wait3A_47 = arith.constant 0 : i32
      %dma_wait3A_48 = arith.constant 0 : i32
      %dma_wait3A_49 = tpu.memref_slice %arg8[%dma_wait3A, %dma_wait3A_47, %dma_wait3A_48] : memref<2x32x1024xf32, #tpu.memory_space<vmem>> -> memref<1x32x1024xf32, #tpu.memory_space<vmem>>
      %dma_wait3A_50 = tpu.memref_squeeze %dma_wait3A_49 : memref<1x32x1024xf32, #tpu.memory_space<vmem>> -> memref<32x1024xf32, #tpu.memory_space<vmem>>
      tpu.wait_dma2 semaphore(%dma_wait3A_43 : memref<!tpu.dma_semaphore, #tpu.memory_space<semaphore_mem>>) src(%dma_wait3A_50 : memref<32x1024xf32, #tpu.memory_space<vmem>>) dst(%dma_wait3A_46 : memref<32x1024xf32, #tpu.memory_space<hbm>>)
      %scan3A_51 = arith.constant 0 : i32
      %scan3A_52 = arith.constant 0 : i32
      %scan3A_53 = arith.constant 0 : i32
      %scan3A_54 = arith.addi %scan3A_52, %scan3A_53 : i32
      %scan3A_55 = arith.constant 0 : i32
    } else {
    }
    return
  }
}

module attributes {stable_mosaic.version = 14 : i64} {
  func.func @_meta_body(%arg0: memref<16x2048xi32, #tpu.memory_space<vmem>>, %arg1: memref<16x2048xi32, #tpu.memory_space<vmem>>, %arg2: memref<16x16xi32, #tpu.memory_space<vmem>>, %arg3: memref<16x4096xi32, #tpu.memory_space<vmem>>) attributes {dimension_semantics = [], scalar_prefetch = 0 : i64, scratch_operands = 0 : i64, tpu.core_type = #tpu.core_type<tc>} {
    %get3A = arith.constant 0 : index
    %get3A_0 = arith.constant 0 : index
    %get3A_1 = vector.load %arg0[%get3A, %get3A_0] : memref<16x2048xi32, #tpu.memory_space<vmem>>, vector<16x2048xi32>
    %get3A_2 = arith.constant 0 : index
    %get3A_3 = arith.constant 0 : index
    %get3A_4 = vector.load %arg1[%get3A_2, %get3A_3] : memref<16x2048xi32, #tpu.memory_space<vmem>>, vector<16x2048xi32>
    %reduce_sum3A = arith.constant dense<0> : vector<16xi32>
    %reduce_sum3A_5 = vector.multi_reduction <add>, %get3A_1, %reduce_sum3A [1] : vector<16x2048xi32> to vector<16xi32>
    %sub3A = arith.constant 2048 : i32
    %sub3A_6 = vector.broadcast %sub3A : i32 to vector<16xi32>
    %sub3A_7 = arith.subi %sub3A_6, %reduce_sum3A_5 : vector<16xi32>
    %reduce_sum3A_8 = arith.constant dense<0> : vector<16xi32>
    %reduce_sum3A_9 = vector.multi_reduction <add>, %get3A_4, %reduce_sum3A_8 [1] : vector<16x2048xi32> to vector<16xi32>
    %sub3A_10 = arith.constant 2048 : i32
    %sub3A_11 = vector.broadcast %sub3A_10 : i32 to vector<16xi32>
    %sub3A_12 = arith.subi %sub3A_11, %reduce_sum3A_9 : vector<16xi32>
    %add3A = arith.addi %sub3A_7, %sub3A_12 : vector<16xi32>
    %broadcast_in_dim3A = vector.shape_cast %sub3A_7 : vector<16xi32> to vector<16x1xi32>
    %broadcast_in_dim3A_13 = vector.shape_cast %broadcast_in_dim3A : vector<16x1xi32> to vector<16x1xi32>
    %broadcast_in_dim3A_14 = vector.broadcast %broadcast_in_dim3A_13 : vector<16x1xi32> to vector<16x16xi32>
    %swap3A = arith.constant 0 : index
    %swap3A_15 = arith.constant 0 : index
    %swap3A_16 = vector.load %arg2[%swap3A, %swap3A_15] : memref<16x16xi32, #tpu.memory_space<vmem>>, vector<16x16xi32>
    tpu.vector_store %arg2[%swap3A, %swap3A_15], %broadcast_in_dim3A_14 {strides = array<i32>} : memref<16x16xi32, #tpu.memory_space<vmem>>, vector<16x16xi32>,
    %iota3A = tpu.iota {dimensions = array<i32: 1>} : vector<16x4096xi32>
    %broadcast_in_dim3A_17 = vector.shape_cast %add3A : vector<16xi32> to vector<16x1xi32>
    %ge3A = vector.broadcast %broadcast_in_dim3A_17 : vector<16x1xi32> to vector<16x4096xi32>
    %ge3A_18 = arith.cmpi sge, %iota3A, %ge3A : vector<16x4096xi32>
    %convert_element_type3A = arith.extui %ge3A_18 : vector<16x4096xi1> to vector<16x4096xi32>
    %swap3A_19 = arith.constant 0 : index
    %swap3A_20 = arith.constant 0 : index
    %swap3A_21 = vector.load %arg3[%swap3A_19, %swap3A_20] : memref<16x4096xi32, #tpu.memory_space<vmem>>, vector<16x4096xi32>
    tpu.vector_store %arg3[%swap3A_19, %swap3A_20], %convert_element_type3A {strides = array<i32>} : memref<16x4096xi32, #tpu.memory_space<vmem>>, vector<16x4096xi32>,
    return
  }
}

</mosaic_0001>

<sc_bundles>
// kernel: kernel.4.cloned.1.call-start
scs
__scs_entry_jumppad:
0x0: {  	(pc) =	sbr.rel $0x88, $3  }
0x1: {  	(tag) =	ssettag $0x0;
	lr =	simm.s32 $0x1  }
0x2: {  	[smem:$0x3F9D] =	sst lr;
	_ =	strace $0xD0000000  }
0x3: {  	_ = 	snop  }
0x4: {  	_ = 	snop  }
0x5: {  	_ = 	snop  }
0x6: {  	_ = 	snop  }
0x7: {  	_ = 	snop  }
__scs_overlays_trampoline_lowered:
0x8: {  	[smem:$0x3FAC] =	sst s0  }
0x9: {  	[smem:$0x3FAD] =	sst s1  }
0xa: {  	[smem:$0x3FAE] =	sst s2  }
0xb: {  	[smem:$0x3FAF] =	sst s3  }
0xc: {  	[smem:$0x3FB0] =	sst s4  }
0xd: {  	[smem:$0x3FB1] =	sst s5  }
0xe: {  	[smem:$0x3FB2] =	sst s6  }
0xf: {  	[smem:$0x3FB3] =	sst s7  }
0x10: {  	[smem:$0x3FB4] =	sst s8  }
0x11: {  	[smem:$0x3FB5] =	sst s9;
	s0 =	simm.s32 @!p0 $0x0  }
0x12: {  	s1 =	sld [smem:$0x3F9B];
	s0 =	simm.s32 @p0 $0x1  }
0x13: {  	[smem:$0x3FB6] =	sst s0;
	s0 =	simm.s32 @!p1 $0x0  }
0x14: {  	s2 =	sld [smem:$0x3F9A];
	s0 =	simm.s32 @p1 $0x1  }
0x15: {  	[smem:$0x3FB7] =	sst s0;
	s0 =	simm.s32 @!p2 $0x0  }
0x16: {  	s3 =	sld [smem:$0x3FDB];
	s0 =	simm.s32 @p2 $0x1  }
0x17: {  	s4 =	simm.s32 $0x1BF5;
	[smem:$0x3FB9] =	sst s0  }
0x18: {  	s0 =	sld [smem:$0x3F9C];
	_ =	swait.ge [sflag:s4], $0x0  }
0x19: {  	s7 =	sld [smem:$0x3F9D]  }
0x1a: {  	s8 =	sadd.s32 $0xFFFFE003, lr  }
0x1b: {  	s9 =	sadd.s32 $0xFFFFFEF7, lr;
	s5 =	simm.s32 $0xFFFFFFFF;
	p2 =	slt.u32 s8, $0xFFFFF086  }
0x1c: {  	p1 =	slt.u32 s9, $0xF7A;
	s5 =	simm.s32 @!p2 $0x0  }
0x1d: {  	s5 =	simm.s32 @p1 $0x1;
	p0 =	seq.s32 s7, s2  }
0x1e: {  	s7 =	smul.u32 @!p0 $0xF7A, s2;
	p2 =	seq.s32 @!p0 s5, $0x0  }
0x1f: {  	s9 =	smul.u32 $0xF7A, s1;
	s8 =	simm.s32 @!p0 $0x1BF5;
	p2 =	por !p2, p0  }
0x20: {  	[sflag:s8] =	ssyncset.s32 @!p0 $0xFFFFF086;
	s6 =	sadd.s32 @!p0 s3, s7;
	s7 =	simm.s32 @!p0 $0x108  }
0x21: {  	s3 =	sadd.s32 s3, s9;
	s6 =	sadd.s32 @!p0 $0x88, s6;
	s7 =	simm.s32 @p2 $0x1082  }
0x22: {  	[simem:s7], [sflag:s8] =	dma.local @!p0 [hbm:s6], $0xF7A  }
0x23: {  	s9 =	sor.u32 $0xD0000000, s2;
	s6 =	simm.s32 $0x108;
	_ =	swait.ge @!p0 [sflag:s8], $0x0  }
0x24: {  	s3 =	sadd.s32 $0x88, s3;
	s6 =	simm.s32 @!p1 $0x1082;
	[sflag:s4] =	ssyncset.s32 $0xFFFFF086  }
0x25: {  	[simem:s6], [sflag:s4] =	dma.local [hbm:s3], $0xF7A  }
0x26: {  	[smem:$0x3F9D] =	sst s1;
	(tag) =	ssettag s2;
	_ =	strace s9  }
0x27: {  	s1 =	sld [smem:$0x3FAD]  }
0x28: {  	s2 =	sld [smem:$0x3FAE]  }
0x29: {  	s4 =	sld [smem:$0x3FB0]  }
0x2a: {  	p0 =	seq.s32 s5, $0x0;
	s5 =	sld [smem:$0x3FB1]  }
0x2b: {  	s6 =	sld [smem:$0x3FB2]  }
0x2c: {  	s7 =	sld [smem:$0x3FB3]  }
0x2d: {  	s3 =	simm.s32 $0x108;
	s8 =	sld [smem:$0x3FB4]  }
0x2e: {  	s3 =	simm.s32 @!p0 $0x1082;
	s9 =	sld [smem:$0x3FB5]  }
0x2f: {  	lr =	sadd.s32 s0, s3;
	s0 =	sld [smem:$0x3FAC]  }
0x30: {  	s3 =	sld [smem:$0x3FAF]  }
0x31: {  	[smem:$0x3FB8] =	sst s10  }
0x32: {  	s10 =	sld [smem:$0x3FB6];
	_ =	sdelay $0x3  }
0x33: {  	p0 =	seq.s32 s10, $0x1;
	s10 =	sld [smem:$0x3FB8];
	_ =	sdelay $0x3  }
0x34: {  	[smem:$0x3FB8] =	sst s10  }
0x35: {  	s10 =	sld [smem:$0x3FB7];
	_ =	sdelay $0x3  }
0x36: {  	p1 =	seq.s32 s10, $0x1;
	s10 =	sld [smem:$0x3FB8];
	_ =	sdelay $0x3  }
0x37: {  	[smem:$0x3FB8] =	sst s10  }
0x38: {  	s10 =	sld [smem:$0x3FB9]  }
0x39: {  	_ = 	snop;
	(pc) =	sbr.ind lr, $3  }
0x3a: {  	_ = 	snop  }
0x3b: {  	_ = 	snop  }
0x3c: {  	p2 =	seq.s32 s10, $0x1;
	s10 =	sld [smem:$0x3FB8]  }
0x3d: {  	_ =	shalt  }
0x3e: {  	_ =	shalt  }
0x3f: {  	_ =	shalt  }
0x40: {  	_ =	shalt  }
0x41: {  	_ =	shalt  }
0x42: {  	_ =	shalt  }
0x43: {  	_ =	shalt  }
0x44: {  	_ =	shalt  }
0x45: {  	_ =	shalt  }
0x46: {  	_ =	shalt  }
0x47: {  	_ =	shalt  }
0x48: {  	_ =	shalt  }
0x49: {  	_ =	shalt  }
0x4a: {  	_ =	shalt  }
0x4b: {  	_ =	shalt  }
0x4c: {  	_ =	shalt  }
0x4d: {  	_ =	shalt  }
0x4e: {  	_ =	shalt  }
0x4f: {  	_ =	shalt  }
0x50: {  	_ =	shalt  }
0x51: {  	_ =	shalt  }
0x52: {  	_ =	shalt  }
0x53: {  	_ =	shalt  }
0x54: {  	_ =	shalt  }
0x55: {  	_ =	shalt  }
0x56: {  	_ =	shalt  }
0x57: {  	_ =	shalt  }
0x58: {  	_ =	shalt  }
0x59: {  	_ =	shalt  }
0x5a: {  	_ =	shalt  }
0x5b: {  	_ =	shalt  }
0x5c: {  	_ =	shalt  }
0x5d: {  	_ =	shalt  }
0x5e: {  	_ =	shalt  }
0x5f: {  	_ =	shalt  }
0x60: {  	_ =	shalt  }
0x61: {  	_ =	shalt  }
0x62: {  	_ =	shalt  }
0x63: {  	_ =	shalt  }
0x64: {  	_ =	shalt  }
0x65: {  	_ =	shalt  }
0x66: {  	_ =	shalt  }
0x67: {  	_ =	shalt  }
0x68: {  	_ =	shalt  }
0x69: {  	_ =	shalt  }
0x6a: {  	_ =	shalt  }
0x6b: {  	_ =	shalt  }
0x6c: {  	_ =	shalt  }
0x6d: {  	_ =	shalt  }
0x6e: {  	_ =	shalt  }
0x6f: {  	_ =	shalt  }
0x70: {  	_ =	shalt  }
0x71: {  	_ =	shalt  }
0x72: {  	_ =	shalt  }
0x73: {  	_ =	shalt  }
0x74: {  	_ =	shalt  }
0x75: {  	_ =	shalt  }
0x76: {  	_ =	shalt  }
0x77: {  	_ =	shalt  }
0x78: {  	_ =	shalt  }
0x79: {  	_ =	shalt  }
0x7a: {  	_ =	shalt  }
0x7b: {  	_ =	shalt  }
0x7c: {  	_ =	shalt  }
0x7d: {  	_ =	shalt  }
0x7e: {  	_ =	shalt  }
0x7f: {  	_ =	shalt  }
0x80: {  	_ =	shalt  }
0x81: {  	_ =	shalt  }
0x82: {  	_ =	shalt  }
0x83: {  	_ =	shalt  }
0x84: {  	_ =	shalt  }
0x85: {  	_ =	shalt  }
0x86: {  	_ =	shalt  }
0x87: {  	_ =	shalt  }
.Lfunc_end0:
.L_simem_size_0:
called_computation_lowered:
.L_overlay_start_0:
0x88: {  	s2 =	sld [smem:$0x3FD9]  }
0x89: {  	s3 =	sld [smem:$0x3FFE];
	_ =	sdelay $0x1  }
0x8a: {  	s1 =	srdreg.scid  }
0x8b: {  	s0 =	sand.u32 $0x1, s1  }
0x8c: {  	s14 =	sshll.u32 s0, $0xA;
	s2 =	sadd.s32 s3, s2  }
0x8d: {  	s2 =	sadd.s32 s2, s14  }
0x8e: {  	[smem:$0x3FC4] =	sst s2  }
0x8f: {  	_ = 	snop  }
0x90: {  	s2 =	sld [smem:$0x3FD0];
	_ =	sdelay $0x1  }
0x91: {  	s15 =	sld [smem:$0x3FC9]  }
0x92: {  	s5 =	simm.s32 $0xA;
	s6 =	simm.s32 $0x10;
	s4 =	sld [smem:$0x3FC7]  }
0x93: {  	[smem:s6], [sflag:s5] =	dma.local [hbm:s2], $0x1  }
0x94: {  	_ =	swait.eq [sflag:s5], $0x1  }
0x95: {  	[sflag:s5] =	ssyncset.done $0x0  }
0x96: {  	[sflag:s5] =	ssyncadd.s32 $0xFFFFFFFF  }
0x97: {  	s16 =	sld [smem:$0x10];
	(tm) =	ssettm $0x1  }
0x98: {  	s17 =	sld [smem:$0x3FFB];
	_ =	sdelay $0x3  }
0x99: {  	_ =	strace s17  }
0x9a: {  	s5 =	sld [smem:$0x3FFC];
	_ =	sdelay $0x3  }
0x9b: {  	_ =	strace s5  }
0x9c: {  	s5 =	sld [smem:$0x3FFD];
	_ =	sdelay $0x3  }
0x9d: {  	_ =	strace s5  }
0x9e: {  	_ =	strace $0x8FFFFFFF  }
0x9f: {  	s18 =	sld [smem:$0x3FDB];
	_ =	sdelay $0x1  }
0xa0: {  	s19 =	simm.s32 $_scs_section_size  }
0xa1: {  	s7 =	simm.s32 $_size__tile_overlayer_lowered;
	s8 =	simm.s32 $_tile_overlayer_lowered  }
0xa2: {  	s22 =	simm.s32 $0x1BFF;
	s21 =	sshll.u32 s8, $0x1;
	s5 =	sadd.s32 s19, s18  }
0xa3: {  	s9 =	simm.s32 $0x0;
	s20 =	sshll.u32 s7, $0x1;
	s7 =	sadd.s32 s21, s5  }
0xa4: {  	[timem:s9], [sflag:s22] =	dma.local [hbm:s7], s20  }
0xa5: {  	_ =	swait.ge [sflag:s22], s20  }
0xa6: {  	s6 =	ssub.s32 $0x0, s20;
	[sflag:s22] =	ssyncset.done $0x0  }
0xa7: {  	[sflag:s22] =	ssyncadd.s32 s6;
	_ =	sdelay $0x1  }
0xa8: {  	s23 =	simm.s32 $0x1B8B  }
0xa9: {  	_ =	swait.ge [sflag:s23], $0x1  }
0xaa: {  	[sflag:s23] =	ssyncset.done $0x0  }
0xab: {  	s25 =	simm.s32 $0x1B8E;
	s24 =	sld [smem:$0x3FFE];
	[sflag:s23] =	ssyncadd.s32 $0xFFFFFFFF  }
0xac: {  	s26 =	simm.s32 $execute0_lowered;
	[smem:$0x3FD2] =	sst s25  }
0xad: {  	s7 =	sshll.u32 s26, $0x1;
	_ =	strace $0x80000046;
	[dreg:$0x1] =	wrdreg $0xFFFFFFFF  }
0xae: {  	s28 =	simm.s32 $_size_execute0_lowered;
	s5 =	sadd.s32 s5, s7;
	[dreg:$0x0] =	wrdreg $0x0  }
0xaf: {  	s7 =	sshll.u32 s28, $0x1;
	[dreg:$0x2] =	wrdreg s5  }
0xb0: {  	[dreg:$0x3] =	wrdreg s7  }
0xb1: {  	[dreg:$0x4] =	wrdreg $0xC0  }
0xb2: {  	_ =	task [dreg:s9], $0x5FFFF  }
0xb3: {  	[dreg:$0x1] =	wrdreg $0xFFFFFFFF  }
0xb4: {  	[dreg:$0x0] =	wrdreg $0x60  }
0xb5: {  	[dreg:$0x2] =	wrdreg s15  }
0xb6: {  	[dreg:$0x3] =	wrdreg s4  }
0xb7: {  	[dreg:$0x4] =	wrdreg s24  }
0xb8: {  	[dreg:$0x5] =	wrdreg s16  }
0xb9: {  	[dreg:$0x6] =	wrdreg $0x9  }
0xba: {  	_ =	task.clear_ibuf [dreg:s9], $0x7FFFF;
	_ =	strace $0x90000046  }
0xbb: {  	s29 =	simm.s32 $0x9;
	_ =	strace $0x80000048  }
0xbc: {  	_ =	swait.ge [sflag:s29], $0x1  }
0xbd: {  	[sflag:s29] =	ssyncadd.s32 $0xFFFFFFFF  }
0xbe: {  	_ =	strace $0x90000048  }
0xbf: {  	_ =	sfence  }
0xc0: {  	s30 =	sld [smem:$0x0];
	_ =	sdelay $0x2  }
0xc1: {  	s31 =	sshll.u32 s1, $0xD;
	s1 =	sshrl.u32 s1, $0x2  }
0xc2: {  	s3 =	sand.u32 $0x4000, s31;
	s1 =	sadd.s32 s1, s30  }
0xc3: {  	s0 =	sor.u32 s3, s0;
	s1 =	sshll.u32 s1, $0x11  }
0xc4: {  	s0 =	sor.u32 s1, s0  }
0xc5: {  	s0 =	sadd.s32 $0x8F2B, s0  }
0xc6: {  	[sflag:s0] =	ssyncadd.remote.s32 $0x1  }
0xc7: {  	_ =	sfence.sel $0xFFFF  }
0xc8: {  	[dreg:$0x0] =	wrdreg $0xFFFFFFFF;
	(pc) =	sbr.abs _section_cstart, $3  }
0xc9: {  	[dreg:$0x1] =	wrdreg $0xFFFFFFFF  }
0xca: {  	_ =	task.clear_ibuf [dreg:s9], $0x2FFFF;
	_ =	strace $0x9FFFFFFF  }
0xcb: {  	(tm) =	ssettm $0x7FFFFFFF  }
tec
execute0_lowered:
.L_overlay_start_1:
0x0: {  	(tag) =	ssettag $0x1  }
0x1: {  	s9 =	rddreg [dreg:$0x0]  }
0x2: {  	s10 =	rddreg [dreg:$0x1]  }
0x3: {  	s0 =	rddreg [dreg:$0x2]  }
0x4: {  	s3 =	rddreg [dreg:$0x3]  }
0x5: {  	s5 =	simm.s32 $0x0;
	s2 =	stileid.u32;
	s4 =	srdreg.scid  }
0x6: {  	s12 =	simm.s32 $0x6;
	s13 =	simm.s32 $0x80;
	s14 =	simm.s32 $0x4000  }
0x7: {  	s16 =	simm.s32 $0x8080;
	s17 =	simm.s32 $0x8480;
	s18 =	simm.s32 $0x8880  }
0x8: {  	s19 =	simm.s32 $0x8C80;
	s20 =	simm.s32 $0x9080;
	s21 =	simm.s32 $0x9480  }
0x9: {  	s28 =	simm.s32 $0xC80;
	s29 =	simm.s32 $0x1080;
	s30 =	simm.s32 $0x1480  }
0xa: {  	s31 =	simm.s32 $0x1880;
	[smem:$0x7FF] =	sst s5;
	s1 =	sshrl.u32 s2, $0x3  }
0xb: {  	s2 =	sshll.u32 s2, $0x7;
	s4 =	sand.u32 $0x1, s4;
	_ =	strace $0x80000047  }
0xc: {  	s2 =	sand.u32 $0x380, s2;
	s6 =	sshll.u32 s1, $0xA;
	s7 =	ssub.s32 $0x2, s4  }
0xd: {  	s1 =	sshll.u32 s1, $0xD;
	p0 =	seq.s32 s4, $0x1;
	s6 =	sor.u32 s2, s6  }
0xe: {  	s8 =	sshrl.u32 s7, $0x1;
	s11 =	sor.u32 s2, s1;
	s1 =	simm.s32 $0x0  }
0xf: {  	s6 =	sshrl.u32 s6, $0x3;
	s22 =	ssub.s32 s7, s8;
	s2 =	sshrl.u32 s11, $0x3  }
0x10: {  	[dreg:$0x5] =	wrdreg s11;
	s26 =	sor.u32 $0x2000000, s11;
	s11 =	simm.s32 $0x880  }
.Ltmp0:
0x11: {  	s23 =	sadd.s32 s9, s2;
	[dreg:$0xa] =	wrdreg s26;
	(pc) =	sbr.rel .LBB2_1-.Ltmp0, $4  }
0x12: {  	s0 =	sadd.s32 s6, s0;
	s24 =	sadd.s32 s10, s2;
	[dreg:$0x7] =	wrdreg s23  }
0x13: {  	s25 =	smax.u32 s22, $0x1;
	s22 =	simm.s32 $0x9880;
	[dreg:$0x8] =	wrdreg s24  }
0x14: {  	s0 =	sadd.s32 $0xA00, s0;
	[dreg:$0x9] =	wrdreg s25;
	s23 =	simm.s32 $0x9C80  }
0x15: {  	v0 =	vimm.f32 $0.0e+00;
	s24 =	simm.s32 $0x5;
	[dreg:$0x6] =	wrdreg s0;
	s0 =	simm.s32 $0x1C80  }
.LBB2_35:
0x16: {  	s1 =	sshrl.u32 s2, $0x3  }
0x17: {  	[sflag:s12] =	ssyncadd.s32 @p1 $0xFFFFFC00;
	s1 =	sadd.s32 s3, s1  }
0x18: {  	[hbm4b:s1+s5] =	stream.linear.scatter [tilespmem:s13], [sflag:$0x6], $0x80, $0x38;
	[tilespmem:$0x18080] =	vst v63  }
0x19: {  	s6 =	sadd.s32 $0x80, s1  }
0x1a: {  	[hbm4b:s6+s5] =	stream.linear.scatter [tilespmem:s7], [sflag:$0x6], $0x80, $0x38;
	[tilespmem:$0x18080] =	vst v63  }
0x1b: {  	s8 =	sadd.s32 $0x100, s1  }
0x1c: {  	[hbm4b:s8+s5] =	stream.linear.scatter [tilespmem:s11], [sflag:$0x6], $0x80, $0x38;
	[tilespmem:$0x18080] =	vst v63  }
0x1d: {  	s10 =	sadd.s32 $0x180, s1  }
0x1e: {  	[hbm4b:s10+s5] =	stream.linear.scatter [tilespmem:s28], [sflag:$0x6], $0x80, $0x38;
	[tilespmem:$0x18080] =	vst v63  }
0x1f: {  	s15 =	sadd.s32 $0x200, s1  }
0x20: {  	[hbm4b:s15+s5] =	stream.linear.scatter [tilespmem:s29], [sflag:$0x6], $0x80, $0x38;
	[tilespmem:$0x18080] =	vst v63  }
0x21: {  	s25 =	sadd.s32 $0x280, s1  }
0x22: {  	[hbm4b:s25+s5] =	stream.linear.scatter [tilespmem:s30], [sflag:$0x6], $0x80, $0x38;
	[tilespmem:$0x18080] =	vst v63  }
0x23: {  	s26 =	sadd.s32 $0x300, s1  }
0x24: {  	[hbm4b:s26+s5] =	stream.linear.scatter [tilespmem:s31], [sflag:$0x6], $0x80, $0x38;
	[tilespmem:$0x18080] =	vst v63  }
0x25: {  	s1 =	sadd.s32 $0x380, s1  }
0x26: {  	[hbm4b:s1+s5] =	stream.linear.scatter [tilespmem:s0], [sflag:$0x6], $0x80, $0x38;
	[tilespmem:$0x18080] =	vst v63  }
0x27: {  	_ =	swait.ge [sflag:s12], $0x400  }
0x28: {  	[sflag:s12] =	ssyncset.done $0x0  }
0x29: {  	s2 =	rddreg [dreg:$0xb];
	[sflag:s12] =	ssyncadd.s32 $0xFFFFFC00  }
.LBB2_48:
0x2a: {  	s2 =	sadd.s32 $0x1, s2;
	s1 =	rddreg [dreg:$0x9]  }
0x2b: {  	p1 =	sne.s32 s2, s1  }
.Ltmp1:
0x2c: {  	_ = 	snop;
	(pc) =	sbr.rel @!p1 .LBB2_49-.Ltmp1, $2  }
0x2d: {  	_ =	sdelay $0x2  }
0x2e: {  	s1 =	smov.u32 s2  }
.LBB2_1:
0x2f: {  	[dreg:$0xb] =	wrdreg s1  }
0x30: {  	s26 =	rddreg [dreg:$0x6]  }
0x31: {  	[tilespmem:s5], [sflag:$0x6] =	stream.linear.gather [hbm4b:s26+s5], $0x80, $0x38;
	[tilespmem:$0x18080] =	vst v63  }
0x32: {  	_ =	swait.ge [sflag:s12], $0x80  }
0x33: {  	[sflag:s12] =	ssyncset.done $0x0  }
0x34: {  	[sflag:s12] =	ssyncadd.s32 $0xFFFFFF80  }
0x35: {  	v1 =	vld [tilespmem:$0x0];
	_ =	sdelay $0x4  }
0x36: {  	(v2sf) =	vpush v1, $0x0;
	_ =	sdelay $0xa  }
.Ltmp2:
0x37: {  	_ = 	snop;
	(pc) =	sbr.rel @!p0 .LBB2_2-.Ltmp2, $2  }
0x38: {  	_ =	sdelay $0x2  }
0x39: {  	s10 =	spop (v2sf)  }
0x3a: {  	s1 =	simm.s32 $0x8080;
	s7 =	rddreg [dreg:$0x8]  }
0x3b: {  	[tilespmem:s1], [sflag:$0x1] =	stream.strided.gather [hbm4b:s7+s13], $0x400, s14, s13, $0x38;
	[tilespmem:$0x18080] =	vst v63  }
0x3c: {  	s2 =	simm.s32 $0x8480;
	s15 =	sadd.s32 $0x80, s7  }
0x3d: {  	[tilespmem:s2], [sflag:$0x1] =	stream.strided.gather [hbm4b:s15+s13], $0x400, s14, s13, $0x38;
	[tilespmem:$0x18080] =	vst v63  }
0x3e: {  	s26 =	simm.s32 $0x8880;
	s6 =	simm.s32 $0x8C80;
	s25 =	sadd.s32 $0x100, s7  }
0x3f: {  	[tilespmem:s26], [sflag:$0x1] =	stream.strided.gather [hbm4b:s25+s13], $0x400, s14, s13, $0x38;
	[tilespmem:$0x18080] =	vst v63  }
0x40: {  	s9 =	simm.s32 $0x9080;
	s4 =	sadd.s32 $0x180, s7;
	s8 =	sadd.s32 $0x200, s7  }
0x41: {  	[tilespmem:s6], [sflag:$0x1] =	stream.strided.gather [hbm4b:s4+s13], $0x400, s14, s13, $0x38;
	[tilespmem:$0x18080] =	vst v63  }
0x42: {  	s11 =	sadd.s32 $0x280, s7;
	s1 =	simm.s32 $0x9C80;
	s15 =	simm.s32 $0x9480  }
0x43: {  	[tilespmem:s9], [sflag:$0x1] =	stream.strided.gather [hbm4b:s8+s13], $0x400, s14, s13, $0x38;
	[tilespmem:$0x18080] =	vst v63  }
0x44: {  	s2 =	simm.s32 $0x2000;
	s25 =	sadd.s32 $0x300, s7;
	s26 =	simm.s32 $0x9880  }
0x45: {  	[tilespmem:s15], [sflag:$0x1] =	stream.strided.gather [hbm4b:s11+s13], $0x400, s14, s13, $0x38;
	[tilespmem:$0x18080] =	vst v63  }
0x46: {  	s4 =	simm.s32 $0x10000;
	s6 =	sadd.s32 $0x380, s7;
	s7 =	sadd.s32 $0x4000, s7  }
0x47: {  	[tilespmem:s26], [sflag:$0x1] =	stream.strided.gather [hbm4b:s25+s13], $0x400, s14, s13, $0x38;
	[tilespmem:$0x18080] =	vst v63  }
.LBB2_37:
0x48: {  	[tilespmem:s1], [sflag:$0x1] =	stream.strided.gather [hbm4b:s6+s13], $0x400, s14, s13, $0x38;
	[tilespmem:$0x18080] =	vst v63  }
0x49: {  	s1 =	smov.u32 s2;
	s2 =	smov.u32 s4  }
0x4a: {  	s8 =	sadd.s32 $0x8000, s4;
	s2 =	sshra.s32 s2, $0x2;
	s6 =	sadd.s32 $0x8080, s1  }
0x4b: {  	[tilespmem:s6], [sflag:$0x1] =	stream.strided.gather [hbm4b:s7+s13], $0x400, s14, s13, $0x38;
	[tilespmem:$0x18080] =	vst v63  }
0x4c: {  	p1 =	seq.s32 s4, $0x18000;
	s4 =	sadd.s32 $0x80, s7;
	s6 =	sadd.s32 $0x8480, s1  }
0x4d: {  	[tilespmem:s6], [sflag:$0x1] =	stream.strided.gather [hbm4b:s4+s13], $0x400, s14, s13, $0x38;
	[tilespmem:$0x18080] =	vst v63  }
0x4e: {  	s4 =	sadd.s32 $0x100, s7;
	s6 =	sadd.s32 $0x8880, s1  }
0x4f: {  	[tilespmem:s6], [sflag:$0x1] =	stream.strided.gather [hbm4b:s4+s13], $0x400, s14, s13, $0x38;
	[tilespmem:$0x18080] =	vst v63  }
0x50: {  	s4 =	sadd.s32 $0x180, s7;
	s6 =	sadd.s32 $0x8C80, s1  }
0x51: {  	[tilespmem:s6], [sflag:$0x1] =	stream.strided.gather [hbm4b:s4+s13], $0x400, s14, s13, $0x38;
	[tilespmem:$0x18080] =	vst v63  }
0x52: {  	s4 =	sadd.s32 $0x200, s7;
	s6 =	sadd.s32 $0x9080, s1  }
0x53: {  	[tilespmem:s6], [sflag:$0x1] =	stream.strided.gather [hbm4b:s4+s13], $0x400, s14, s13, $0x38;
	[tilespmem:$0x18080] =	vst v63  }
.Ltmp3:
0x54: {  	s4 =	sadd.s32 $0x280, s7;
	s6 =	sadd.s32 $0x9480, s1;
	(pc) =	sbr.rel @!p1 .LBB2_37-.Ltmp3, $4  }
0x55: {  	[tilespmem:s6], [sflag:$0x1] =	stream.strided.gather [hbm4b:s4+s13], $0x400, s14, s13, $0x38;
	[tilespmem:$0x18080] =	vst v63  }
0x56: {  	s4 =	sadd.s32 $0x300, s7;
	s6 =	sadd.s32 $0x9880, s1;
	s1 =	sadd.s32 $0x9C80, s1  }
0x57: {  	[tilespmem:s6], [sflag:$0x1] =	stream.strided.gather [hbm4b:s4+s13], $0x400, s14, s13, $0x38;
	[tilespmem:$0x18080] =	vst v63  }
0x58: {  	s6 =	sadd.s32 $0x380, s7;
	s7 =	sadd.s32 $0x4000, s7;
	s4 =	smov.u32 s8  }
0x59: {  	[tilespmem:s1], [sflag:$0x1] =	stream.strided.gather [hbm4b:s6+s13], $0x400, s14, s13, $0x38;
	[tilespmem:$0x18080] =	vst v63  }
0x5a: {  	s4 =	sadd.s32 $0x8080, s2  }
0x5b: {  	[tilespmem:s4], [sflag:$0x1] =	stream.strided.gather [hbm4b:s7+s13], $0x400, s14, s13, $0x38;
	[tilespmem:$0x18080] =	vst v63  }
0x5c: {  	s6 =	sadd.s32 $0x80, s7;
	s4 =	sadd.s32 $0x8480, s2  }
0x5d: {  	[tilespmem:s4], [sflag:$0x1] =	stream.strided.gather [hbm4b:s6+s13], $0x400, s14, s13, $0x38;
	[tilespmem:$0x18080] =	vst v63  }
0x5e: {  	s8 =	sadd.s32 $0x100, s7;
	s9 =	sadd.s32 $0x8880, s2  }
0x5f: {  	[tilespmem:s9], [sflag:$0x1] =	stream.strided.gather [hbm4b:s8+s13], $0x400, s14, s13, $0x38;
	[tilespmem:$0x18080] =	vst v63  }
0x60: {  	s11 =	sadd.s32 $0x180, s7;
	s15 =	sadd.s32 $0x8C80, s2  }
0x61: {  	[tilespmem:s15], [sflag:$0x1] =	stream.strided.gather [hbm4b:s11+s13], $0x400, s14, s13, $0x38;
	[tilespmem:$0x18080] =	vst v63  }
0x62: {  	s25 =	sadd.s32 $0x200, s7;
	s26 =	sadd.s32 $0x9080, s2  }
0x63: {  	[tilespmem:s26], [sflag:$0x1] =	stream.strided.gather [hbm4b:s25+s13], $0x400, s14, s13, $0x38;
	[tilespmem:$0x18080] =	vst v63  }
0x64: {  	s4 =	sadd.s32 $0x280, s7;
	s6 =	sadd.s32 $0x9480, s2  }
0x65: {  	[tilespmem:s6], [sflag:$0x1] =	stream.strided.gather [hbm4b:s4+s13], $0x400, s14, s13, $0x38;
	[tilespmem:$0x18080] =	vst v63  }
0x66: {  	s8 =	sadd.s32 $0x300, s7;
	s9 =	sadd.s32 $0x9880, s2;
	s11 =	sadd.s32 $0x380, s7  }
0x67: {  	[tilespmem:s9], [sflag:$0x1] =	stream.strided.gather [hbm4b:s8+s13], $0x400, s14, s13, $0x38;
	[tilespmem:$0x18080] =	vst v63  }
0x68: {  	s15 =	sadd.s32 $0x9C80, s2;
	s25 =	sshll.u32 s10, $0xE;
	s26 =	rddreg [dreg:$0x5]  }
0x69: {  	[tilespmem:s15], [sflag:$0x1] =	stream.strided.gather [hbm4b:s11+s13], $0x400, s14, s13, $0x38;
	[tilespmem:$0x18080] =	vst v63  }
0x6a: {  	s15 =	sor.u32 s26, s25  }
0x6b: {  	s8 =	simm.s32 $0x0;
	[dreg:$0xe] =	wrdreg s15  }
.LBB2_40:
0x6c: {  	s11 =	sand.u32 $0x1, s8;
	p1 =	seq.s32 s8, $0x0  }
0x6d: {  	s1 =	sadd.s32 $0x1, s11;
	p2 =	seq.s32 @!p1 s8, $0x3F  }
0x6e: {  	_ =	swait.ge [sflag:s1], $0x8000;
	p2 =	por p1, !p2  }
.Ltmp4:
0x6f: {  	s2 =	sxor.u32 @!p1 $0x1, s11;
	[sflag:s1] =	ssyncset.done $0x0;
	(pc) =	sbr.rel @!p2 .LBB2_44-.Ltmp4, $4  }
0x70: {  	[sflag:s1] =	ssyncadd.s32 $0xFFFF8000;
	s1 =	sadd.s32 @!p1 $0x3, s2  }
0x71: {  	_ =	swait.ge @!p1 [sflag:s1], $0x8000  }
0x72: {  	[sflag:s1] =	ssyncset.done @!p1 $0x0  }
0x73: {  	s10 =	simm.s32 @!p1 $0x40;
	[sflag:s1] =	ssyncadd.s32 @!p1 $0xFFFF8000  }
0x74: {  	s10 =	sadd.s32 @!p1 $0x1, s8  }
0x75: {  	s10 =	simm.s32 @p1 $0x1  }
0x76: {  	s2 =	simm.s32 @p1 $0x1;
	s6 =	rddreg [dreg:$0x5];
	s1 =	sshll.u32 s10, $0x13  }
0x77: {  	s4 =	sshll.u32 s2, $0xF;
	s1 =	sor.u32 s6, s1  }
0x78: {  	s7 =	rddreg [dreg:$0x1];
	s9 =	sadd.s32 $0x8080, s4;
	s1 =	sshrl.u32 s1, $0x3  }
0x79: {  	s2 =	sadd.s32 $0x1, s2;
	s4 =	sadd.s32 s7, s1;
	s1 =	sadd.s32 $0x0, s9  }
0x7a: {  	[tilespmem:s1], [sflag:s2] =	stream.strided.gather [hbm4b:s4+s13], $0x400, s14, s13, $0x38;
	[tilespmem:$0x18080] =	vst v63  }
0x7b: {  	s15 =	sadd.s32 $0x80, s4;
	s7 =	sadd.s32 $0x400, s1  }
0x7c: {  	[tilespmem:s7], [sflag:s2] =	stream.strided.gather [hbm4b:s15+s13], $0x400, s14, s13, $0x38;
	[tilespmem:$0x18080] =	vst v63  }
0x7d: {  	s6 =	simm.s32 $0x10000;
	s25 =	sadd.s32 $0x100, s4;
	s26 =	sadd.s32 $0x800, s1  }
0x7e: {  	[tilespmem:s26], [sflag:s2] =	stream.strided.gather [hbm4b:s25+s13], $0x400, s14, s13, $0x38;
	[tilespmem:$0x18080] =	vst v63  }
0x7f: {  	s7 =	sadd.s32 $0x180, s4;
	s15 =	sadd.s32 $0xC00, s1;
	s25 =	sadd.s32 $0x200, s4  }
0x80: {  	[tilespmem:s15], [sflag:s2] =	stream.strided.gather [hbm4b:s7+s13], $0x400, s14, s13, $0x38;
	[tilespmem:$0x18080] =	vst v63  }
0x81: {  	s26 =	sadd.s32 $0x1000, s1;
	s7 =	sadd.s32 $0x280, s4;
	s15 =	sadd.s32 $0x1400, s1  }
0x82: {  	[tilespmem:s26], [sflag:s2] =	stream.strided.gather [hbm4b:s25+s13], $0x400, s14, s13, $0x38;
	[tilespmem:$0x18080] =	vst v63  }
0x83: {  	s25 =	sadd.s32 $0x300, s4;
	s26 =	sadd.s32 $0x1800, s1;
	s1 =	sadd.s32 $0x1C00, s1  }
0x84: {  	[tilespmem:s15], [sflag:s2] =	stream.strided.gather [hbm4b:s7+s13], $0x400, s14, s13, $0x38;
	[tilespmem:$0x18080] =	vst v63  }
0x85: {  	s15 =	simm.s32 $0x2000;
	s7 =	sadd.s32 $0x380, s4;
	s4 =	sadd.s32 $0x4000, s4  }
0x86: {  	[tilespmem:s26], [sflag:s2] =	stream.strided.gather [hbm4b:s25+s13], $0x400, s14, s13, $0x38;
	[tilespmem:$0x18080] =	vst v63  }
.LBB2_42:
0x87: {  	[tilespmem:s1], [sflag:s2] =	stream.strided.gather [hbm4b:s7+s13], $0x400, s14, s13, $0x38;
	[tilespmem:$0x18080] =	vst v63  }
0x88: {  	s1 =	smov.u32 s6  }
0x89: {  	s25 =	sadd.s32 $0x8000, s6;
	s26 =	sadd.s32 s15, s9;
	s15 =	sshra.s32 s1, $0x2  }
0x8a: {  	[tilespmem:s26], [sflag:s2] =	stream.strided.gather [hbm4b:s4+s13], $0x400, s14, s13, $0x38;
	[tilespmem:$0x18080] =	vst v63  }
0x8b: {  	p1 =	sne.s32 s6, $0x18000;
	s1 =	sadd.s32 $0x80, s4;
	s6 =	sadd.s32 $0x400, s26  }
0x8c: {  	[tilespmem:s6], [sflag:s2] =	stream.strided.gather [hbm4b:s1+s13], $0x400, s14, s13, $0x38;
	[tilespmem:$0x18080] =	vst v63  }
0x8d: {  	s1 =	sadd.s32 $0x100, s4;
	s6 =	sadd.s32 $0x800, s26  }
0x8e: {  	[tilespmem:s6], [sflag:s2] =	stream.strided.gather [hbm4b:s1+s13], $0x400, s14, s13, $0x38;
	[tilespmem:$0x18080] =	vst v63  }
0x8f: {  	s1 =	sadd.s32 $0x180, s4;
	s6 =	sadd.s32 $0xC00, s26  }
0x90: {  	[tilespmem:s6], [sflag:s2] =	stream.strided.gather [hbm4b:s1+s13], $0x400, s14, s13, $0x38;
	[tilespmem:$0x18080] =	vst v63  }
0x91: {  	s1 =	sadd.s32 $0x200, s4;
	s6 =	sadd.s32 $0x1000, s26  }
0x92: {  	[tilespmem:s6], [sflag:s2] =	stream.strided.gather [hbm4b:s1+s13], $0x400, s14, s13, $0x38;
	[tilespmem:$0x18080] =	vst v63  }
.Ltmp5:
0x93: {  	s1 =	sadd.s32 $0x280, s4;
	s6 =	sadd.s32 $0x1400, s26;
	(pc) =	sbr.rel @p1 .LBB2_42-.Ltmp5, $4  }
0x94: {  	[tilespmem:s6], [sflag:s2] =	stream.strided.gather [hbm4b:s1+s13], $0x400, s14, s13, $0x38;
	[tilespmem:$0x18080] =	vst v63  }
0x95: {  	s7 =	sadd.s32 $0x380, s4;
	s1 =	sadd.s32 $0x300, s4;
	s6 =	sadd.s32 $0x1800, s26  }
0x96: {  	[tilespmem:s6], [sflag:s2] =	stream.strided.gather [hbm4b:s1+s13], $0x400, s14, s13, $0x38;
	[tilespmem:$0x18080] =	vst v63  }
0x97: {  	s4 =	sadd.s32 $0x4000, s4;
	s1 =	sadd.s32 $0x1C00, s26;
	s6 =	smov.u32 s25  }
0x98: {  	[tilespmem:s1], [sflag:s2] =	stream.strided.gather [hbm4b:s7+s13], $0x400, s14, s13, $0x38;
	[tilespmem:$0x18080] =	vst v63  }
0x99: {  	s1 =	sadd.s32 s15, s9  }
0x9a: {  	[tilespmem:s1], [sflag:s2] =	stream.strided.gather [hbm4b:s4+s13], $0x400, s14, s13, $0x38;
	[tilespmem:$0x18080] =	vst v63  }
0x9b: {  	s6 =	sadd.s32 $0x80, s4;
	s15 =	sadd.s32 $0x400, s1  }
0x9c: {  	[tilespmem:s15], [sflag:s2] =	stream.strided.gather [hbm4b:s6+s13], $0x400, s14, s13, $0x38;
	[tilespmem:$0x18080] =	vst v63  }
0x9d: {  	s25 =	sadd.s32 $0x100, s4;
	s26 =	sadd.s32 $0x800, s1  }
0x9e: {  	[tilespmem:s26], [sflag:s2] =	stream.strided.gather [hbm4b:s25+s13], $0x400, s14, s13, $0x38;
	[tilespmem:$0x18080] =	vst v63  }
0x9f: {  	s9 =	sadd.s32 $0x180, s4;
	s15 =	sadd.s32 $0xC00, s1  }
0xa0: {  	[tilespmem:s15], [sflag:s2] =	stream.strided.gather [hbm4b:s9+s13], $0x400, s14, s13, $0x38;
	[tilespmem:$0x18080] =	vst v63  }
0xa1: {  	s25 =	sadd.s32 $0x200, s4;
	s26 =	sadd.s32 $0x1000, s1  }
0xa2: {  	[tilespmem:s26], [sflag:s2] =	stream.strided.gather [hbm4b:s25+s13], $0x400, s14, s13, $0x38;
	[tilespmem:$0x18080] =	vst v63  }
0xa3: {  	s7 =	sadd.s32 $0x280, s4;
	s9 =	sadd.s32 $0x1400, s1  }
0xa4: {  	[tilespmem:s9], [sflag:s2] =	stream.strided.gather [hbm4b:s7+s13], $0x400, s14, s13, $0x38;
	[tilespmem:$0x18080] =	vst v63  }
0xa5: {  	s15 =	sadd.s32 $0x300, s4;
	s25 =	sadd.s32 $0x1800, s1  }
0xa6: {  	[tilespmem:s25], [sflag:s2] =	stream.strided.gather [hbm4b:s15+s13], $0x400, s14, s13, $0x38;
	[tilespmem:$0x18080] =	vst v63  }
0xa7: {  	s26 =	sadd.s32 $0x380, s4;
	s1 =	sadd.s32 $0x1C00, s1;
	s15 =	rddreg [dreg:$0xe]  }
0xa8: {  	[tilespmem:s1], [sflag:s2] =	stream.strided.gather [hbm4b:s26+s13], $0x400, s14, s13, $0x38;
	[tilespmem:$0x18080] =	vst v63  }
.LBB2_44:
0xa9: {  	s1 =	sshll.u32 s8, $0x13  }
0xaa: {  	s2 =	sshll.u32 s11, $0xF;
	s1 =	sadd.s32 s15, s1  }
0xab: {  	s8 =	sadd.s32 $0x8080, s2;
	s1 =	sshrl.u32 s1, $0x3  }
0xac: {  	s2 =	sadd.s32 $0x3, s11;
	s9 =	sadd.s32 s3, s1;
	s1 =	sadd.s32 $0x0, s8  }
0xad: {  	[hbm4b:s9+s13] =	stream.strided.scatter [tilespmem:s1], [sflag:s2], $0x400, s14, s13, $0x38;
	[tilespmem:$0x18080] =	vst v63  }
0xae: {  	s4 =	sadd.s32 $0x400, s1;
	s6 =	sadd.s32 $0x80, s9  }
0xaf: {  	[hbm4b:s6+s13] =	stream.strided.scatter [tilespmem:s4], [sflag:s2], $0x400, s14, s13, $0x38;
	[tilespmem:$0x18080] =	vst v63  }
0xb0: {  	s25 =	sadd.s32 $0x800, s1;
	s26 =	sadd.s32 $0x100, s9;
	s7 =	sadd.s32 $0xC00, s1  }
0xb1: {  	[hbm4b:s26+s13] =	stream.strided.scatter [tilespmem:s25], [sflag:s2], $0x400, s14, s13, $0x38;
	[tilespmem:$0x18080] =	vst v63  }
0xb2: {  	s11 =	sadd.s32 $0x180, s9;
	s4 =	simm.s32 $0x2000;
	s6 =	simm.s32 $0x10000  }
0xb3: {  	[hbm4b:s11+s13] =	stream.strided.scatter [tilespmem:s7], [sflag:s2], $0x400, s14, s13, $0x38;
	[tilespmem:$0x18080] =	vst v63  }
0xb4: {  	s25 =	sadd.s32 $0x1000, s1;
	s26 =	sadd.s32 $0x200, s9;
	s7 =	sadd.s32 $0x1400, s1  }
0xb5: {  	[hbm4b:s26+s13] =	stream.strided.scatter [tilespmem:s25], [sflag:s2], $0x400, s14, s13, $0x38;
	[tilespmem:$0x18080] =	vst v63  }
0xb6: {  	s11 =	sadd.s32 $0x280, s9;
	s25 =	sadd.s32 $0x1800, s1;
	s26 =	sadd.s32 $0x300, s9  }
0xb7: {  	[hbm4b:s11+s13] =	stream.strided.scatter [tilespmem:s7], [sflag:s2], $0x400, s14, s13, $0x38;
	[tilespmem:$0x18080] =	vst v63  }
0xb8: {  	s7 =	sadd.s32 $0x1C00, s1;
	s1 =	sadd.s32 $0x380, s9;
	s9 =	sadd.s32 $0x4000, s9  }
0xb9: {  	[hbm4b:s26+s13] =	stream.strided.scatter [tilespmem:s25], [sflag:s2], $0x400, s14, s13, $0x38;
	[tilespmem:$0x18080] =	vst v63  }
.LBB2_45:
0xba: {  	[hbm4b:s1+s13] =	stream.strided.scatter [tilespmem:s7], [sflag:s2], $0x400, s14, s13, $0x38;
	[tilespmem:$0x18080] =	vst v63  }
0xbb: {  	s1 =	smov.u32 s6  }
0xbc: {  	s11 =	sadd.s32 $0x8000, s6;
	s7 =	sadd.s32 s4, s8;
	s4 =	sshra.s32 s1, $0x2  }
0xbd: {  	[hbm4b:s9+s13] =	stream.strided.scatter [tilespmem:s7], [sflag:s2], $0x400, s14, s13, $0x38;
	[tilespmem:$0x18080] =	vst v63  }
0xbe: {  	p1 =	seq.s32 s6, $0x18000;
	s6 =	sadd.s32 $0x80, s9;
	s1 =	sadd.s32 $0x400, s7  }
0xbf: {  	[hbm4b:s6+s13] =	stream.strided.scatter [tilespmem:s1], [sflag:s2], $0x400, s14, s13, $0x38;
	[tilespmem:$0x18080] =	vst v63  }
0xc0: {  	s1 =	sadd.s32 $0x800, s7;
	s6 =	sadd.s32 $0x100, s9  }
0xc1: {  	[hbm4b:s6+s13] =	stream.strided.scatter [tilespmem:s1], [sflag:s2], $0x400, s14, s13, $0x38;
	[tilespmem:$0x18080] =	vst v63  }
0xc2: {  	s1 =	sadd.s32 $0xC00, s7;
	s6 =	sadd.s32 $0x180, s9  }
0xc3: {  	[hbm4b:s6+s13] =	stream.strided.scatter [tilespmem:s1], [sflag:s2], $0x400, s14, s13, $0x38;
	[tilespmem:$0x18080] =	vst v63  }
0xc4: {  	s1 =	sadd.s32 $0x1000, s7;
	s6 =	sadd.s32 $0x200, s9  }
0xc5: {  	[hbm4b:s6+s13] =	stream.strided.scatter [tilespmem:s1], [sflag:s2], $0x400, s14, s13, $0x38;
	[tilespmem:$0x18080] =	vst v63  }
.Ltmp6:
0xc6: {  	s1 =	sadd.s32 $0x1400, s7;
	s6 =	sadd.s32 $0x280, s9;
	(pc) =	sbr.rel @!p1 .LBB2_45-.Ltmp6, $4  }
0xc7: {  	[hbm4b:s6+s13] =	stream.strided.scatter [tilespmem:s1], [sflag:s2], $0x400, s14, s13, $0x38;
	[tilespmem:$0x18080] =	vst v63  }
0xc8: {  	s1 =	sadd.s32 $0x1800, s7;
	s6 =	sadd.s32 $0x300, s9;
	s7 =	sadd.s32 $0x1C00, s7  }
0xc9: {  	[hbm4b:s6+s13] =	stream.strided.scatter [tilespmem:s1], [sflag:s2], $0x400, s14, s13, $0x38;
	[tilespmem:$0x18080] =	vst v63  }
0xca: {  	s1 =	sadd.s32 $0x380, s9;
	s9 =	sadd.s32 $0x4000, s9;
	s6 =	smov.u32 s11  }
0xcb: {  	[hbm4b:s1+s13] =	stream.strided.scatter [tilespmem:s7], [sflag:s2], $0x400, s14, s13, $0x38;
	[tilespmem:$0x18080] =	vst v63  }
0xcc: {  	s1 =	sadd.s32 s4, s8  }
0xcd: {  	[hbm4b:s9+s13] =	stream.strided.scatter [tilespmem:s1], [sflag:s2], $0x400, s14, s13, $0x38;
	[tilespmem:$0x18080] =	vst v63  }
0xce: {  	s6 =	sadd.s32 $0x80, s9;
	s4 =	sadd.s32 $0x400, s1  }
0xcf: {  	[hbm4b:s6+s13] =	stream.strided.scatter [tilespmem:s4], [sflag:s2], $0x400, s14, s13, $0x38;
	[tilespmem:$0x18080] =	vst v63  }
0xd0: {  	s7 =	sadd.s32 $0x100, s9;
	s6 =	sadd.s32 $0x800, s1  }
0xd1: {  	[hbm4b:s7+s13] =	stream.strided.scatter [tilespmem:s6], [sflag:s2], $0x400, s14, s13, $0x38;
	[tilespmem:$0x18080] =	vst v63  }
0xd2: {  	s11 =	sadd.s32 $0x180, s9;
	s8 =	sadd.s32 $0xC00, s1  }
0xd3: {  	[hbm4b:s11+s13] =	stream.strided.scatter [tilespmem:s8], [sflag:s2], $0x400, s14, s13, $0x38;
	[tilespmem:$0x18080] =	vst v63  }
0xd4: {  	s26 =	sadd.s32 $0x200, s9;
	s25 =	sadd.s32 $0x1000, s1  }
0xd5: {  	[hbm4b:s26+s13] =	stream.strided.scatter [tilespmem:s25], [sflag:s2], $0x400, s14, s13, $0x38;
	[tilespmem:$0x18080] =	vst v63  }
0xd6: {  	s7 =	sadd.s32 $0x1400, s1;
	s8 =	sadd.s32 $0x280, s9  }
0xd7: {  	[hbm4b:s8+s13] =	stream.strided.scatter [tilespmem:s7], [sflag:s2], $0x400, s14, s13, $0x38;
	[tilespmem:$0x18080] =	vst v63  }
0xd8: {  	s11 =	sadd.s32 $0x1800, s1;
	s25 =	sadd.s32 $0x300, s9  }
0xd9: {  	[hbm4b:s25+s13] =	stream.strided.scatter [tilespmem:s11], [sflag:s2], $0x400, s14, s13, $0x38;
	[tilespmem:$0x18080] =	vst v63  }
0xda: {  	s1 =	sadd.s32 $0x1C00, s1;
	s26 =	sadd.s32 $0x380, s9  }
0xdb: {  	[hbm4b:s26+s13] =	stream.strided.scatter [tilespmem:s1], [sflag:s2], $0x400, s14, s13, $0x38;
	[tilespmem:$0x18080] =	vst v63  }
0xdc: {  	p1 =	sgt.u32 s10, $0x3F  }
.Ltmp7:
0xdd: {  	_ = 	snop;
	(pc) =	sbr.rel @!p1 .LBB2_40-.Ltmp7, $2  }
0xde: {  	_ =	sdelay $0x2  }
0xdf: {  	s8 =	smov.u32 s10  }
.Ltmp8:
0xe0: {  	s1 =	simm.s32 $0x4;
	(pc) =	sbr.rel .LBB2_48-.Ltmp8, $4  }
0xe1: {  	_ =	swait.ge [sflag:s1], $0x8000  }
0xe2: {  	[sflag:s1] =	ssyncset.done $0x0  }
0xe3: {  	s2 =	rddreg [dreg:$0xb];
	[sflag:s1] =	ssyncadd.s32 $0xFFFF8000  }
0xe4: {  	s11 =	simm.s32 $0x880;
	s9 =	rddreg [dreg:$0x0]  }
.LBB2_2:
0xe5: {  	s1 =	sand.u32 $0x1F, s10  }
0xe6: {  	s2 =	sshra.s32 s10, $0x1F;
	p1 =	slt.s32 s10, $0x1;
	p2 =	sne.s32 s1, $0x0  }
0xe7: {  	s26 =	sshrl.u32 s2, $0x1B;
	p1 =	por !p1, !p2  }
0xe8: {  	s2 =	simm.s32 $0x1;
	s1 =	sadd.s32 s26, s10;
	p1 =	por !p1, !p1  }
0xe9: {  	s1 =	sshra.s32 s1, $0x5;
	s2 =	simm.s32 @!p1 $0x0  }
0xea: {  	s15 =	ssub.s32 s1, s2  }
0xeb: {  	p1 =	slt.s32 s15, $0x1  }
.Ltmp9:
0xec: {  	_ = 	snop;
	(pc) =	sbr.rel @p1 .LBB2_16-.Ltmp9, $1  }
0xed: {  	_ =	sdelay $0x3  }
0xee: {  	p3 =	por $0x0, $0x0  }
.Ltmp10:
0xef: {  	_ = 	snop;
	(pc) =	sbr.rel @p3 .LBB2_6-.Ltmp10, $3  }
0xf0: {  	_ =	sdelay $0x1  }
0xf1: {  	[dreg:$0xc] =	wrdreg s10;
	s7 =	simm.s32 $0x0;
	s2 =	simm.s32 $0x0  }
0xf2: {  	p1 =	por $0x0, $0x0;
	s8 =	rddreg [dreg:$0x7];
	p2 =	por $0x0, $0x0  }
0xf3: {  	s1 =	simm.s32 $0x8080;
	s6 =	rddreg [dreg:$0x7]  }
0xf4: {  	[tilespmem:s1], [sflag:$0x1] =	stream.strided.gather [hbm4b:s6+s13], $0x400, s14, s13, $0x38;
	[tilespmem:$0x18080] =	vst v63  }
0xf5: {  	s2 =	simm.s32 $0x8480;
	s11 =	sadd.s32 $0x80, s6  }
0xf6: {  	[tilespmem:s2], [sflag:$0x1] =	stream.strided.gather [hbm4b:s11+s13], $0x400, s14, s13, $0x38;
	[tilespmem:$0x18080] =	vst v63  }
0xf7: {  	s26 =	simm.s32 $0x8880;
	s8 =	simm.s32 $0x8C80;
	s25 =	sadd.s32 $0x100, s6  }
0xf8: {  	[tilespmem:s26], [sflag:$0x1] =	stream.strided.gather [hbm4b:s25+s13], $0x400, s14, s13, $0x38;
	[tilespmem:$0x18080] =	vst v63  }
0xf9: {  	s10 =	simm.s32 $0x9080;
	p3 =	por $0x0, $0x0;
	s4 =	sadd.s32 $0x180, s6  }
0xfa: {  	[tilespmem:s8], [sflag:$0x1] =	stream.strided.gather [hbm4b:s4+s13], $0x400, s14, s13, $0x38;
	[tilespmem:$0x18080] =	vst v63  }
0xfb: {  	p2 =	por $0x1, $0x1;
	s9 =	sadd.s32 $0x200, s6;
	s11 =	sadd.s32 $0x280, s6  }
0xfc: {  	[tilespmem:s10], [sflag:$0x1] =	stream.strided.gather [hbm4b:s9+s13], $0x400, s14, s13, $0x38;
	[tilespmem:$0x18080] =	vst v63  }
.Ltmp11:
0xfd: {  	s2 =	simm.s32 $0x2000;
	s25 =	simm.s32 $0x9480;
	(pc) =	sbr.rel @p3 .LBB2_6-.Ltmp11, $4  }
0xfe: {  	[tilespmem:s25], [sflag:$0x1] =	stream.strided.gather [hbm4b:s11+s13], $0x400, s14, s13, $0x38;
	[tilespmem:$0x18080] =	vst v63  }
0xff: {  	s26 =	sadd.s32 $0x300, s6;
	s4 =	simm.s32 $0x9880;
	s8 =	sadd.s32 $0x4000, s6  }
0x100: {  	[tilespmem:s4], [sflag:$0x1] =	stream.strided.gather [hbm4b:s26+s13], $0x400, s14, s13, $0x38;
	[tilespmem:$0x18080] =	vst v63  }
0x101: {  	s9 =	sadd.s32 $0x380, s6;
	s10 =	simm.s32 $0x9C80;
	s4 =	simm.s32 $0x10000  }
.LBB2_5:
0x102: {  	[tilespmem:s10], [sflag:$0x1] =	stream.strided.gather [hbm4b:s9+s13], $0x400, s14, s13, $0x38;
	[tilespmem:$0x18080] =	vst v63  }
0x103: {  	s1 =	smov.u32 s2;
	s2 =	smov.u32 s4  }
0x104: {  	s6 =	sadd.s32 $0x8000, s4;
	s2 =	sshra.s32 s2, $0x2;
	s9 =	sadd.s32 $0x8080, s1  }
0x105: {  	[tilespmem:s9], [sflag:$0x1] =	stream.strided.gather [hbm4b:s8+s13], $0x400, s14, s13, $0x38;
	[tilespmem:$0x18080] =	vst v63  }
0x106: {  	p3 =	seq.s32 s4, $0x18000;
	s4 =	sadd.s32 $0x80, s8;
	s9 =	sadd.s32 $0x8480, s1  }
0x107: {  	[tilespmem:s9], [sflag:$0x1] =	stream.strided.gather [hbm4b:s4+s13], $0x400, s14, s13, $0x38;
	[tilespmem:$0x18080] =	vst v63  }
0x108: {  	s4 =	sadd.s32 $0x100, s8;
	s9 =	sadd.s32 $0x8880, s1  }
0x109: {  	[tilespmem:s9], [sflag:$0x1] =	stream.strided.gather [hbm4b:s4+s13], $0x400, s14, s13, $0x38;
	[tilespmem:$0x18080] =	vst v63  }
0x10a: {  	s4 =	sadd.s32 $0x180, s8;
	s9 =	sadd.s32 $0x8C80, s1  }
0x10b: {  	[tilespmem:s9], [sflag:$0x1] =	stream.strided.gather [hbm4b:s4+s13], $0x400, s14, s13, $0x38;
	[tilespmem:$0x18080] =	vst v63  }
0x10c: {  	s4 =	sadd.s32 $0x200, s8;
	s9 =	sadd.s32 $0x9080, s1  }
0x10d: {  	[tilespmem:s9], [sflag:$0x1] =	stream.strided.gather [hbm4b:s4+s13], $0x400, s14, s13, $0x38;
	[tilespmem:$0x18080] =	vst v63  }
.Ltmp12:
0x10e: {  	s4 =	sadd.s32 $0x280, s8;
	s9 =	sadd.s32 $0x9480, s1;
	(pc) =	sbr.rel @!p3 .LBB2_5-.Ltmp12, $4  }
0x10f: {  	[tilespmem:s9], [sflag:$0x1] =	stream.strided.gather [hbm4b:s4+s13], $0x400, s14, s13, $0x38;
	[tilespmem:$0x18080] =	vst v63  }
0x110: {  	s10 =	sadd.s32 $0x9C80, s1;
	s4 =	sadd.s32 $0x300, s8;
	s9 =	sadd.s32 $0x9880, s1  }
0x111: {  	[tilespmem:s9], [sflag:$0x1] =	stream.strided.gather [hbm4b:s4+s13], $0x400, s14, s13, $0x38;
	[tilespmem:$0x18080] =	vst v63  }
0x112: {  	s9 =	sadd.s32 $0x380, s8;
	s8 =	sadd.s32 $0x4000, s8;
	s4 =	smov.u32 s6  }
.LBB2_6:
0x113: {  	[tilespmem:s10], [sflag:$0x1] =	stream.strided.gather @p2 [hbm4b:s9+s13], $0x400, s14, s13, $0x38;
	[tilespmem:$0x18080] =	vst v63  }
0x114: {  	s1 =	sadd.s32 $0x8080, s2  }
0x115: {  	[tilespmem:s1], [sflag:$0x1] =	stream.strided.gather [hbm4b:s8+s13], $0x400, s14, s13, $0x38;
	[tilespmem:$0x18080] =	vst v63  }
0x116: {  	s26 =	sadd.s32 $0x80, s8;
	s4 =	sadd.s32 $0x8480, s2  }
0x117: {  	[tilespmem:s4], [sflag:$0x1] =	stream.strided.gather [hbm4b:s26+s13], $0x400, s14, s13, $0x38;
	[tilespmem:$0x18080] =	vst v63  }
0x118: {  	s6 =	sadd.s32 $0x100, s8;
	s9 =	sadd.s32 $0x8880, s2  }
0x119: {  	[tilespmem:s9], [sflag:$0x1] =	stream.strided.gather [hbm4b:s6+s13], $0x400, s14, s13, $0x38;
	[tilespmem:$0x18080] =	vst v63  }
0x11a: {  	s10 =	sadd.s32 $0x180, s8;
	s11 =	sadd.s32 $0x8C80, s2  }
0x11b: {  	[tilespmem:s11], [sflag:$0x1] =	stream.strided.gather [hbm4b:s10+s13], $0x400, s14, s13, $0x38;
	[tilespmem:$0x18080] =	vst v63  }
0x11c: {  	s25 =	sadd.s32 $0x200, s8;
	s26 =	sadd.s32 $0x9080, s2  }
0x11d: {  	[tilespmem:s26], [sflag:$0x1] =	stream.strided.gather [hbm4b:s25+s13], $0x400, s14, s13, $0x38;
	[tilespmem:$0x18080] =	vst v63  }
0x11e: {  	s6 =	sadd.s32 $0x280, s8;
	s9 =	sadd.s32 $0x9480, s2  }
0x11f: {  	[tilespmem:s9], [sflag:$0x1] =	stream.strided.gather [hbm4b:s6+s13], $0x400, s14, s13, $0x38;
	[tilespmem:$0x18080] =	vst v63  }
0x120: {  	p2 =	por $0x1, $0x1;
	s10 =	sadd.s32 $0x300, s8;
	s11 =	sadd.s32 $0x9880, s2  }
0x121: {  	[tilespmem:s11], [sflag:$0x1] =	stream.strided.gather [hbm4b:s10+s13], $0x400, s14, s13, $0x38;
	[tilespmem:$0x18080] =	vst v63  }
0x122: {  	[dreg:$0xd] =	wrdreg s15;
	s25 =	sadd.s32 $0x380, s8;
	s26 =	sadd.s32 $0x9C80, s2  }
0x123: {  	[tilespmem:s26], [sflag:$0x1] =	stream.strided.gather [hbm4b:s25+s13], $0x400, s14, s13, $0x38;
	[tilespmem:$0x18080] =	vst v63  }
.LBB2_8:
0x124: {  	s8 =	sand.u32 $0x1, s7  }
0x125: {  	s10 =	sadd.s32 $0x1, s7;
	s1 =	sadd.s32 $0x1, s8  }
0x126: {  	p3 =	seq.s32 s7, $0x0;
	p4 =	sge.s32 s10, s15;
	_ =	swait.ge [sflag:s1], $0x8000  }
.Ltmp13:
0x127: {  	s2 =	sxor.u32 @!p3 $0x1, s8;
	[sflag:s1] =	ssyncset.done $0x0;
	(pc) =	sbr.rel @p4 .LBB2_12-.Ltmp13, $4  }
0x128: {  	[sflag:s1] =	ssyncadd.s32 $0xFFFF8000;
	s1 =	sadd.s32 @!p3 $0x3, s2  }
0x129: {  	_ =	swait.ge @!p3 [sflag:s1], $0x8000  }
0x12a: {  	[sflag:s1] =	ssyncset.done @!p3 $0x0  }
0x12b: {  	[sflag:s1] =	ssyncadd.s32 @!p3 $0xFFFF8000  }
0x12c: {  	s1 =	simm.s32 $0x1  }
0x12d: {  	s2 =	sshll.u32 s10, $0x13;
	s4 =	rddreg [dreg:$0x5];
	s1 =	simm.s32 @!p2 $0x0  }
0x12e: {  	s11 =	sxor.u32 $0x1, s8;
	s2 =	sor.u32 s4, s2;
	s1 =	sshll.u32 s1, $0xF  }
0x12f: {  	s15 =	rddreg [dreg:$0x0];
	s4 =	sshrl.u32 s2, $0x3;
	s9 =	sadd.s32 $0x8080, s1  }
0x130: {  	s2 =	sadd.s32 $0x1, s11;
	s4 =	sadd.s32 s15, s4;
	s1 =	sadd.s32 $0x0, s9  }
0x131: {  	[tilespmem:s1], [sflag:s2] =	stream.strided.gather [hbm4b:s4+s13], $0x400, s14, s13, $0x38;
	[tilespmem:$0x18080] =	vst v63  }
0x132: {  	s6 =	sadd.s32 $0x80, s4;
	s11 =	sadd.s32 $0x400, s1  }
0x133: {  	[tilespmem:s11], [sflag:s2] =	stream.strided.gather [hbm4b:s6+s13], $0x400, s14, s13, $0x38;
	[tilespmem:$0x18080] =	vst v63  }
0x134: {  	s25 =	sadd.s32 $0x100, s4;
	s26 =	sadd.s32 $0x800, s1;
	s15 =	sadd.s32 $0xC00, s1  }
0x135: {  	[tilespmem:s26], [sflag:s2] =	stream.strided.gather [hbm4b:s25+s13], $0x400, s14, s13, $0x38;
	[tilespmem:$0x18080] =	vst v63  }
0x136: {  	s11 =	sadd.s32 $0x180, s4;
	s6 =	simm.s32 $0x10000;
	s25 =	sadd.s32 $0x200, s4  }
0x137: {  	[tilespmem:s15], [sflag:s2] =	stream.strided.gather [hbm4b:s11+s13], $0x400, s14, s13, $0x38;
	[tilespmem:$0x18080] =	vst v63  }
0x138: {  	s26 =	sadd.s32 $0x1000, s1;
	s11 =	sadd.s32 $0x280, s4;
	s15 =	sadd.s32 $0x1400, s1  }
0x139: {  	[tilespmem:s26], [sflag:s2] =	stream.strided.gather [hbm4b:s25+s13], $0x400, s14, s13, $0x38;
	[tilespmem:$0x18080] =	vst v63  }
0x13a: {  	s25 =	sadd.s32 $0x300, s4;
	s26 =	sadd.s32 $0x1800, s1;
	s1 =	sadd.s32 $0x1C00, s1  }
0x13b: {  	[tilespmem:s15], [sflag:s2] =	stream.strided.gather [hbm4b:s11+s13], $0x400, s14, s13, $0x38;
	[tilespmem:$0x18080] =	vst v63  }
0x13c: {  	s11 =	simm.s32 $0x2000;
	s15 =	sadd.s32 $0x380, s4;
	s4 =	sadd.s32 $0x4000, s4  }
0x13d: {  	[tilespmem:s26], [sflag:s2] =	stream.strided.gather [hbm4b:s25+s13], $0x400, s14, s13, $0x38;
	[tilespmem:$0x18080] =	vst v63  }
.LBB2_10:
0x13e: {  	[tilespmem:s1], [sflag:s2] =	stream.strided.gather [hbm4b:s15+s13], $0x400, s14, s13, $0x38;
	[tilespmem:$0x18080] =	vst v63  }
0x13f: {  	s1 =	smov.u32 s6  }
0x140: {  	s25 =	sadd.s32 $0x8000, s6;
	s26 =	sadd.s32 s11, s9;
	s11 =	sshra.s32 s1, $0x2  }
0x141: {  	[tilespmem:s26], [sflag:s2] =	stream.strided.gather [hbm4b:s4+s13], $0x400, s14, s13, $0x38;
	[tilespmem:$0x18080] =	vst v63  }
0x142: {  	p3 =	sne.s32 s6, $0x18000;
	s1 =	sadd.s32 $0x80, s4;
	s6 =	sadd.s32 $0x400, s26  }
0x143: {  	[tilespmem:s6], [sflag:s2] =	stream.strided.gather [hbm4b:s1+s13], $0x400, s14, s13, $0x38;
	[tilespmem:$0x18080] =	vst v63  }
0x144: {  	s1 =	sadd.s32 $0x100, s4;
	s6 =	sadd.s32 $0x800, s26  }
0x145: {  	[tilespmem:s6], [sflag:s2] =	stream.strided.gather [hbm4b:s1+s13], $0x400, s14, s13, $0x38;
	[tilespmem:$0x18080] =	vst v63  }
0x146: {  	s1 =	sadd.s32 $0x180, s4;
	s6 =	sadd.s32 $0xC00, s26  }
0x147: {  	[tilespmem:s6], [sflag:s2] =	stream.strided.gather [hbm4b:s1+s13], $0x400, s14, s13, $0x38;
	[tilespmem:$0x18080] =	vst v63  }
0x148: {  	s1 =	sadd.s32 $0x200, s4;
	s6 =	sadd.s32 $0x1000, s26  }
0x149: {  	[tilespmem:s6], [sflag:s2] =	stream.strided.gather [hbm4b:s1+s13], $0x400, s14, s13, $0x38;
	[tilespmem:$0x18080] =	vst v63  }
.Ltmp14:
0x14a: {  	s1 =	sadd.s32 $0x280, s4;
	s6 =	sadd.s32 $0x1400, s26;
	(pc) =	sbr.rel @p3 .LBB2_10-.Ltmp14, $4  }
0x14b: {  	[tilespmem:s6], [sflag:s2] =	stream.strided.gather [hbm4b:s1+s13], $0x400, s14, s13, $0x38;
	[tilespmem:$0x18080] =	vst v63  }
0x14c: {  	s15 =	sadd.s32 $0x380, s4;
	s1 =	sadd.s32 $0x300, s4;
	s6 =	sadd.s32 $0x1800, s26  }
0x14d: {  	[tilespmem:s6], [sflag:s2] =	stream.strided.gather [hbm4b:s1+s13], $0x400, s14, s13, $0x38;
	[tilespmem:$0x18080] =	vst v63  }
0x14e: {  	s4 =	sadd.s32 $0x4000, s4;
	s1 =	sadd.s32 $0x1C00, s26;
	s6 =	smov.u32 s25  }
0x14f: {  	[tilespmem:s1], [sflag:s2] =	stream.strided.gather [hbm4b:s15+s13], $0x400, s14, s13, $0x38;
	[tilespmem:$0x18080] =	vst v63  }
0x150: {  	s1 =	sadd.s32 s11, s9  }
0x151: {  	[tilespmem:s1], [sflag:s2] =	stream.strided.gather [hbm4b:s4+s13], $0x400, s14, s13, $0x38;
	[tilespmem:$0x18080] =	vst v63  }
0x152: {  	s6 =	sadd.s32 $0x80, s4;
	s9 =	sadd.s32 $0x400, s1  }
0x153: {  	[tilespmem:s9], [sflag:s2] =	stream.strided.gather [hbm4b:s6+s13], $0x400, s14, s13, $0x38;
	[tilespmem:$0x18080] =	vst v63  }
0x154: {  	s25 =	sadd.s32 $0x100, s4;
	s26 =	sadd.s32 $0x800, s1  }
0x155: {  	[tilespmem:s26], [sflag:s2] =	stream.strided.gather [hbm4b:s25+s13], $0x400, s14, s13, $0x38;
	[tilespmem:$0x18080] =	vst v63  }
0x156: {  	s11 =	sadd.s32 $0x180, s4;
	s15 =	sadd.s32 $0xC00, s1  }
0x157: {  	[tilespmem:s15], [sflag:s2] =	stream.strided.gather [hbm4b:s11+s13], $0x400, s14, s13, $0x38;
	[tilespmem:$0x18080] =	vst v63  }
0x158: {  	s25 =	sadd.s32 $0x200, s4;
	s26 =	sadd.s32 $0x1000, s1  }
0x159: {  	[tilespmem:s26], [sflag:s2] =	stream.strided.gather [hbm4b:s25+s13], $0x400, s14, s13, $0x38;
	[tilespmem:$0x18080] =	vst v63  }
0x15a: {  	s9 =	sadd.s32 $0x280, s4;
	s11 =	sadd.s32 $0x1400, s1  }
0x15b: {  	[tilespmem:s11], [sflag:s2] =	stream.strided.gather [hbm4b:s9+s13], $0x400, s14, s13, $0x38;
	[tilespmem:$0x18080] =	vst v63  }
0x15c: {  	s15 =	sadd.s32 $0x300, s4;
	s25 =	sadd.s32 $0x1800, s1  }
0x15d: {  	[tilespmem:s25], [sflag:s2] =	stream.strided.gather [hbm4b:s15+s13], $0x400, s14, s13, $0x38;
	[tilespmem:$0x18080] =	vst v63  }
0x15e: {  	s26 =	sadd.s32 $0x380, s4;
	s1 =	sadd.s32 $0x1C00, s1;
	s15 =	rddreg [dreg:$0xd]  }
0x15f: {  	[tilespmem:s1], [sflag:s2] =	stream.strided.gather [hbm4b:s26+s13], $0x400, s14, s13, $0x38;
	[tilespmem:$0x18080] =	vst v63  }
.LBB2_12:
0x160: {  	s1 =	simm.s32 $0x1  }
0x161: {  	s2 =	sshll.u32 s7, $0x13;
	s4 =	rddreg [dreg:$0x5];
	s1 =	simm.s32 @!p1 $0x0  }
0x162: {  	s2 =	sor.u32 s4, s2;
	s1 =	sshll.u32 s1, $0xF  }
0x163: {  	s9 =	sshrl.u32 s2, $0x3;
	s7 =	sadd.s32 $0x8080, s1  }
0x164: {  	s2 =	sadd.s32 $0x3, s8;
	s8 =	sadd.s32 s3, s9;
	s1 =	sadd.s32 $0x0, s7  }
0x165: {  	[hbm4b:s8+s13] =	stream.strided.scatter [tilespmem:s1], [sflag:s2], $0x400, s14, s13, $0x38;
	[tilespmem:$0x18080] =	vst v63  }
0x166: {  	s6 =	sadd.s32 $0x80, s8;
	s11 =	sadd.s32 $0x400, s1  }
0x167: {  	[hbm4b:s6+s13] =	stream.strided.scatter [tilespmem:s11], [sflag:s2], $0x400, s14, s13, $0x38;
	[tilespmem:$0x18080] =	vst v63  }
0x168: {  	s4 =	simm.s32 $0x2000;
	s26 =	sadd.s32 $0x100, s8;
	s25 =	sadd.s32 $0x800, s1  }
0x169: {  	[hbm4b:s26+s13] =	stream.strided.scatter [tilespmem:s25], [sflag:s2], $0x400, s14, s13, $0x38;
	[tilespmem:$0x18080] =	vst v63  }
0x16a: {  	s9 =	sadd.s32 $0xC00, s1;
	s11 =	sadd.s32 $0x180, s8;
	s6 =	simm.s32 $0x10000  }
0x16b: {  	[hbm4b:s11+s13] =	stream.strided.scatter [tilespmem:s9], [sflag:s2], $0x400, s14, s13, $0x38;
	[tilespmem:$0x18080] =	vst v63  }
0x16c: {  	s25 =	sadd.s32 $0x1000, s1;
	s26 =	sadd.s32 $0x200, s8;
	s9 =	sadd.s32 $0x1400, s1  }
0x16d: {  	[hbm4b:s26+s13] =	stream.strided.scatter [tilespmem:s25], [sflag:s2], $0x400, s14, s13, $0x38;
	[tilespmem:$0x18080] =	vst v63  }
0x16e: {  	s11 =	sadd.s32 $0x280, s8;
	s25 =	sadd.s32 $0x1800, s1;
	s26 =	sadd.s32 $0x300, s8  }
0x16f: {  	[hbm4b:s11+s13] =	stream.strided.scatter [tilespmem:s9], [sflag:s2], $0x400, s14, s13, $0x38;
	[tilespmem:$0x18080] =	vst v63  }
0x170: {  	s9 =	sadd.s32 $0x1C00, s1;
	s1 =	sadd.s32 $0x380, s8;
	s8 =	sadd.s32 $0x4000, s8  }
0x171: {  	[hbm4b:s26+s13] =	stream.strided.scatter [tilespmem:s25], [sflag:s2], $0x400, s14, s13, $0x38;
	[tilespmem:$0x18080] =	vst v63  }
.LBB2_13:
0x172: {  	[hbm4b:s1+s13] =	stream.strided.scatter [tilespmem:s9], [sflag:s2], $0x400, s14, s13, $0x38;
	[tilespmem:$0x18080] =	vst v63  }
0x173: {  	s1 =	smov.u32 s6  }
0x174: {  	s11 =	sadd.s32 $0x8000, s6;
	s9 =	sadd.s32 s4, s7;
	s4 =	sshra.s32 s1, $0x2  }
0x175: {  	[hbm4b:s8+s13] =	stream.strided.scatter [tilespmem:s9], [sflag:s2], $0x400, s14, s13, $0x38;
	[tilespmem:$0x18080] =	vst v63  }
0x176: {  	p3 =	seq.s32 s6, $0x18000;
	s6 =	sadd.s32 $0x80, s8;
	s1 =	sadd.s32 $0x400, s9  }
0x177: {  	[hbm4b:s6+s13] =	stream.strided.scatter [tilespmem:s1], [sflag:s2], $0x400, s14, s13, $0x38;
	[tilespmem:$0x18080] =	vst v63  }
0x178: {  	s1 =	sadd.s32 $0x800, s9;
	s6 =	sadd.s32 $0x100, s8  }
0x179: {  	[hbm4b:s6+s13] =	stream.strided.scatter [tilespmem:s1], [sflag:s2], $0x400, s14, s13, $0x38;
	[tilespmem:$0x18080] =	vst v63  }
0x17a: {  	s1 =	sadd.s32 $0xC00, s9;
	s6 =	sadd.s32 $0x180, s8  }
0x17b: {  	[hbm4b:s6+s13] =	stream.strided.scatter [tilespmem:s1], [sflag:s2], $0x400, s14, s13, $0x38;
	[tilespmem:$0x18080] =	vst v63  }
0x17c: {  	s1 =	sadd.s32 $0x1000, s9;
	s6 =	sadd.s32 $0x200, s8  }
0x17d: {  	[hbm4b:s6+s13] =	stream.strided.scatter [tilespmem:s1], [sflag:s2], $0x400, s14, s13, $0x38;
	[tilespmem:$0x18080] =	vst v63  }
.Ltmp15:
0x17e: {  	s1 =	sadd.s32 $0x1400, s9;
	s6 =	sadd.s32 $0x280, s8;
	(pc) =	sbr.rel @!p3 .LBB2_13-.Ltmp15, $4  }
0x17f: {  	[hbm4b:s6+s13] =	stream.strided.scatter [tilespmem:s1], [sflag:s2], $0x400, s14, s13, $0x38;
	[tilespmem:$0x18080] =	vst v63  }
0x180: {  	s1 =	sadd.s32 $0x1800, s9;
	s6 =	sadd.s32 $0x300, s8;
	s9 =	sadd.s32 $0x1C00, s9  }
0x181: {  	[hbm4b:s6+s13] =	stream.strided.scatter [tilespmem:s1], [sflag:s2], $0x400, s14, s13, $0x38;
	[tilespmem:$0x18080] =	vst v63  }
0x182: {  	s1 =	sadd.s32 $0x380, s8;
	s8 =	sadd.s32 $0x4000, s8;
	s6 =	smov.u32 s11  }
0x183: {  	[hbm4b:s1+s13] =	stream.strided.scatter [tilespmem:s9], [sflag:s2], $0x400, s14, s13, $0x38;
	[tilespmem:$0x18080] =	vst v63  }
0x184: {  	s1 =	sadd.s32 s4, s7  }
0x185: {  	[hbm4b:s8+s13] =	stream.strided.scatter [tilespmem:s1], [sflag:s2], $0x400, s14, s13, $0x38;
	[tilespmem:$0x18080] =	vst v63  }
0x186: {  	s6 =	sadd.s32 $0x80, s8;
	s4 =	sadd.s32 $0x400, s1  }
0x187: {  	[hbm4b:s6+s13] =	stream.strided.scatter [tilespmem:s4], [sflag:s2], $0x400, s14, s13, $0x38;
	[tilespmem:$0x18080] =	vst v63  }
0x188: {  	s7 =	sadd.s32 $0x100, s8;
	s6 =	sadd.s32 $0x800, s1  }
0x189: {  	[hbm4b:s7+s13] =	stream.strided.scatter [tilespmem:s6], [sflag:s2], $0x400, s14, s13, $0x38;
	[tilespmem:$0x18080] =	vst v63  }
0x18a: {  	s11 =	sadd.s32 $0x180, s8;
	s9 =	sadd.s32 $0xC00, s1  }
0x18b: {  	[hbm4b:s11+s13] =	stream.strided.scatter [tilespmem:s9], [sflag:s2], $0x400, s14, s13, $0x38;
	[tilespmem:$0x18080] =	vst v63  }
0x18c: {  	s26 =	sadd.s32 $0x200, s8;
	s25 =	sadd.s32 $0x1000, s1  }
0x18d: {  	[hbm4b:s26+s13] =	stream.strided.scatter [tilespmem:s25], [sflag:s2], $0x400, s14, s13, $0x38;
	[tilespmem:$0x18080] =	vst v63  }
0x18e: {  	s7 =	sadd.s32 $0x1400, s1;
	s9 =	sadd.s32 $0x280, s8  }
0x18f: {  	[hbm4b:s9+s13] =	stream.strided.scatter [tilespmem:s7], [sflag:s2], $0x400, s14, s13, $0x38;
	[tilespmem:$0x18080] =	vst v63  }
0x190: {  	s11 =	sadd.s32 $0x1800, s1;
	s25 =	sadd.s32 $0x300, s8  }
0x191: {  	[hbm4b:s25+s13] =	stream.strided.scatter [tilespmem:s11], [sflag:s2], $0x400, s14, s13, $0x38;
	[tilespmem:$0x18080] =	vst v63  }
0x192: {  	s1 =	sadd.s32 $0x1C00, s1;
	s26 =	sadd.s32 $0x380, s8  }
0x193: {  	[hbm4b:s26+s13] =	stream.strided.scatter [tilespmem:s1], [sflag:s2], $0x400, s14, s13, $0x38;
	[tilespmem:$0x18080] =	vst v63  }
0x194: {  	p3 =	seq.s32 s10, s15  }
.Ltmp16:
0x195: {  	_ = 	snop;
	(pc) =	sbr.rel @!p3 .LBB2_8-.Ltmp16, $2  }
0x196: {  	_ =	sdelay $0x2  }
0x197: {  	p2 =	por !p2, !p2;
	p1 =	por !p1, !p1;
	s7 =	smov.u32 s10  }
0x198: {  	s1 =	sxor.u32 $0xFFFFFFFF, s15  }
0x199: {  	s1 =	sand.u32 $0x1, s1  }
0x19a: {  	s1 =	sadd.s32 $0x3, s1  }
0x19b: {  	_ =	swait.ge [sflag:s1], $0x8000  }
0x19c: {  	[sflag:s1] =	ssyncset.done $0x0  }
0x19d: {  	s10 =	rddreg [dreg:$0xc];
	[sflag:s1] =	ssyncadd.s32 $0xFFFF8000  }
0x19e: {  	s11 =	simm.s32 $0x880;
	s9 =	rddreg [dreg:$0x0]  }
.LBB2_16:
0x19f: {  	s1 =	sshll.u32 s15, $0x5  }
0x1a0: {  	s1 =	ssub.s32 s10, s1  }
0x1a1: {  	p1 =	slt.s32 s1, $0x1  }
.Ltmp17:
0x1a2: {  	_ = 	snop;
	(pc) =	sbr.rel @p1 .LBB2_21-.Ltmp17, $1  }
0x1a3: {  	_ =	sdelay $0x3  }
0x1a4: {  	p2 =	sne.s32 s1, $0x1  }
.Ltmp18:
0x1a5: {  	_ = 	snop;
	(pc) =	sbr.rel @!p2 .LBB2_20-.Ltmp18, $3  }
0x1a6: {  	_ =	sdelay $0x1  }
0x1a7: {  	s2 =	sshll.u32 s15, $0x13;
	s4 =	rddreg [dreg:$0x5]  }
0x1a8: {  	p1 =	por $0x0, $0x0;
	s7 =	sor.u32 s2, s4;
	s2 =	sadd.s32 $0xFFFFFFFF, s1  }
0x1a9: {  	s1 =	sshrl.u32 s7, $0x3  }
0x1aa: {  	s4 =	sadd.s32 s9, s1  }
0x1ab: {  	[tilespmem:s16], [sflag:$0x6] =	stream.linear.gather [hbm4b:s4+s5], $0x80, $0x38;
	[tilespmem:$0x18080] =	vst v63  }
0x1ac: {  	s6 =	sadd.s32 $0x80, s4  }
0x1ad: {  	[tilespmem:s17], [sflag:$0x6] =	stream.linear.gather [hbm4b:s6+s5], $0x80, $0x38;
	[tilespmem:$0x18080] =	vst v63  }
0x1ae: {  	s25 =	sadd.s32 $0x100, s4  }
0x1af: {  	[tilespmem:s18], [sflag:$0x6] =	stream.linear.gather [hbm4b:s25+s5], $0x80, $0x38;
	[tilespmem:$0x18080] =	vst v63  }
0x1b0: {  	s26 =	sadd.s32 $0x180, s4  }
0x1b1: {  	[tilespmem:s19], [sflag:$0x6] =	stream.linear.gather [hbm4b:s26+s5], $0x80, $0x38;
	[tilespmem:$0x18080] =	vst v63  }
0x1b2: {  	s8 =	sadd.s32 $0x200, s4  }
0x1b3: {  	[tilespmem:s20], [sflag:$0x6] =	stream.linear.gather [hbm4b:s8+s5], $0x80, $0x38;
	[tilespmem:$0x18080] =	vst v63  }
0x1b4: {  	s15 =	sadd.s32 $0x280, s4  }
0x1b5: {  	[tilespmem:s21], [sflag:$0x6] =	stream.linear.gather [hbm4b:s15+s5], $0x80, $0x38;
	[tilespmem:$0x18080] =	vst v63  }
0x1b6: {  	s25 =	sadd.s32 $0x300, s4  }
0x1b7: {  	[tilespmem:s22], [sflag:$0x6] =	stream.linear.gather [hbm4b:s25+s5], $0x80, $0x38;
	[tilespmem:$0x18080] =	vst v63  }
0x1b8: {  	s4 =	sadd.s32 $0x380, s4  }
0x1b9: {  	[tilespmem:s23], [sflag:$0x6] =	stream.linear.gather [hbm4b:s4+s5], $0x80, $0x38;
	[tilespmem:$0x18080] =	vst v63  }
0x1ba: {  	_ =	swait.ge [sflag:s12], $0x400  }
0x1bb: {  	[sflag:s12] =	ssyncset.done $0x0  }
0x1bc: {  	s1 =	sadd.s32 s3, s1;
	[sflag:s12] =	ssyncadd.s32 $0xFFFFFC00  }
0x1bd: {  	[hbm4b:s1+s5] =	stream.linear.scatter [tilespmem:s16], [sflag:$0x6], $0x80, $0x38;
	[tilespmem:$0x18080] =	vst v63  }
0x1be: {  	s26 =	sadd.s32 $0x80, s1  }
0x1bf: {  	[hbm4b:s26+s5] =	stream.linear.scatter [tilespmem:s17], [sflag:$0x6], $0x80, $0x38;
	[tilespmem:$0x18080] =	vst v63  }
0x1c0: {  	s6 =	sadd.s32 $0x100, s1  }
0x1c1: {  	[hbm4b:s6+s5] =	stream.linear.scatter [tilespmem:s18], [sflag:$0x6], $0x80, $0x38;
	[tilespmem:$0x18080] =	vst v63  }
0x1c2: {  	s8 =	sadd.s32 $0x180, s1  }
0x1c3: {  	[hbm4b:s8+s5] =	stream.linear.scatter [tilespmem:s19], [sflag:$0x6], $0x80, $0x38;
	[tilespmem:$0x18080] =	vst v63  }
0x1c4: {  	s15 =	sadd.s32 $0x200, s1  }
0x1c5: {  	[hbm4b:s15+s5] =	stream.linear.scatter [tilespmem:s20], [sflag:$0x6], $0x80, $0x38;
	[tilespmem:$0x18080] =	vst v63  }
0x1c6: {  	s25 =	sadd.s32 $0x280, s1  }
0x1c7: {  	[hbm4b:s25+s5] =	stream.linear.scatter [tilespmem:s21], [sflag:$0x6], $0x80, $0x38;
	[tilespmem:$0x18080] =	vst v63  }
0x1c8: {  	p2 =	sne.s32 s2, $0x1;
	s26 =	sadd.s32 $0x300, s1  }
0x1c9: {  	[hbm4b:s26+s5] =	stream.linear.scatter [tilespmem:s22], [sflag:$0x6], $0x80, $0x38;
	[tilespmem:$0x18080] =	vst v63  }
.Ltmp19:
0x1ca: {  	_ = 	snop;
	(pc) =	sbr.rel @!p2 .LBB2_20-.Ltmp19, $4  }
0x1cb: {  	s1 =	sadd.s32 $0x380, s1  }
0x1cc: {  	[hbm4b:s1+s5] =	stream.linear.scatter [tilespmem:s23], [sflag:$0x6], $0x80, $0x38;
	[tilespmem:$0x18080] =	vst v63  }
0x1cd: {  	s2 =	sadd.s32 $0xFFFFFFFF, s2;
	_ =	swait.ge [sflag:s12], $0x400  }
0x1ce: {  	s7 =	sadd.s32 $0x4000, s7;
	p1 =	por $0x1, $0x1;
	[sflag:s12] =	ssyncset.done $0x0  }
.LBB2_19:
0x1cf: {  	p2 =	sne.s32 s2, $0x1;
	s1 =	sshrl.u32 s7, $0x3;
	[sflag:s12] =	ssyncadd.s32 $0xFFFFFC00  }
0x1d0: {  	s2 =	sadd.s32 $0xFFFFFFFF, s2;
	s4 =	sadd.s32 s9, s1  }
0x1d1: {  	[tilespmem:s16], [sflag:$0x6] =	stream.linear.gather [hbm4b:s4+s5], $0x80, $0x38;
	[tilespmem:$0x18080] =	vst v63  }
0x1d2: {  	s6 =	sadd.s32 $0x80, s4  }
0x1d3: {  	[tilespmem:s17], [sflag:$0x6] =	stream.linear.gather [hbm4b:s6+s5], $0x80, $0x38;
	[tilespmem:$0x18080] =	vst v63  }
0x1d4: {  	s6 =	sadd.s32 $0x100, s4  }
0x1d5: {  	[tilespmem:s18], [sflag:$0x6] =	stream.linear.gather [hbm4b:s6+s5], $0x80, $0x38;
	[tilespmem:$0x18080] =	vst v63  }
0x1d6: {  	s6 =	sadd.s32 $0x180, s4  }
0x1d7: {  	[tilespmem:s19], [sflag:$0x6] =	stream.linear.gather [hbm4b:s6+s5], $0x80, $0x38;
	[tilespmem:$0x18080] =	vst v63  }
0x1d8: {  	s6 =	sadd.s32 $0x200, s4  }
0x1d9: {  	[tilespmem:s20], [sflag:$0x6] =	stream.linear.gather [hbm4b:s6+s5], $0x80, $0x38;
	[tilespmem:$0x18080] =	vst v63  }
0x1da: {  	s6 =	sadd.s32 $0x280, s4  }
0x1db: {  	[tilespmem:s21], [sflag:$0x6] =	stream.linear.gather [hbm4b:s6+s5], $0x80, $0x38;
	[tilespmem:$0x18080] =	vst v63  }
0x1dc: {  	s6 =	sadd.s32 $0x300, s4  }
0x1dd: {  	[tilespmem:s22], [sflag:$0x6] =	stream.linear.gather [hbm4b:s6+s5], $0x80, $0x38;
	[tilespmem:$0x18080] =	vst v63  }
0x1de: {  	s4 =	sadd.s32 $0x380, s4  }
0x1df: {  	[tilespmem:s23], [sflag:$0x6] =	stream.linear.gather [hbm4b:s4+s5], $0x80, $0x38;
	[tilespmem:$0x18080] =	vst v63  }
0x1e0: {  	_ =	swait.ge [sflag:s12], $0x400  }
0x1e1: {  	[sflag:s12] =	ssyncset.done $0x0  }
0x1e2: {  	s1 =	sadd.s32 s3, s1;
	[sflag:s12] =	ssyncadd.s32 $0xFFFFFC00  }
0x1e3: {  	[hbm4b:s1+s5] =	stream.linear.scatter [tilespmem:s16], [sflag:$0x6], $0x80, $0x38;
	[tilespmem:$0x18080] =	vst v63  }
0x1e4: {  	s4 =	sadd.s32 $0x80, s1  }
0x1e5: {  	[hbm4b:s4+s5] =	stream.linear.scatter [tilespmem:s17], [sflag:$0x6], $0x80, $0x38;
	[tilespmem:$0x18080] =	vst v63  }
0x1e6: {  	s4 =	sadd.s32 $0x100, s1  }
0x1e7: {  	[hbm4b:s4+s5] =	stream.linear.scatter [tilespmem:s18], [sflag:$0x6], $0x80, $0x38;
	[tilespmem:$0x18080] =	vst v63  }
0x1e8: {  	s4 =	sadd.s32 $0x180, s1  }
0x1e9: {  	[hbm4b:s4+s5] =	stream.linear.scatter [tilespmem:s19], [sflag:$0x6], $0x80, $0x38;
	[tilespmem:$0x18080] =	vst v63  }
0x1ea: {  	s4 =	sadd.s32 $0x200, s1  }
0x1eb: {  	[hbm4b:s4+s5] =	stream.linear.scatter [tilespmem:s20], [sflag:$0x6], $0x80, $0x38;
	[tilespmem:$0x18080] =	vst v63  }
0x1ec: {  	s4 =	sadd.s32 $0x280, s1  }
0x1ed: {  	[hbm4b:s4+s5] =	stream.linear.scatter [tilespmem:s21], [sflag:$0x6], $0x80, $0x38;
	[tilespmem:$0x18080] =	vst v63  }
0x1ee: {  	s4 =	sadd.s32 $0x300, s1  }
0x1ef: {  	[hbm4b:s4+s5] =	stream.linear.scatter [tilespmem:s22], [sflag:$0x6], $0x80, $0x38;
	[tilespmem:$0x18080] =	vst v63  }
.Ltmp20:
0x1f0: {  	_ = 	snop;
	(pc) =	sbr.rel @p2 .LBB2_19-.Ltmp20, $4  }
0x1f1: {  	s1 =	sadd.s32 $0x380, s1  }
0x1f2: {  	[hbm4b:s1+s5] =	stream.linear.scatter [tilespmem:s23], [sflag:$0x6], $0x80, $0x38;
	[tilespmem:$0x18080] =	vst v63  }
0x1f3: {  	_ =	swait.ge [sflag:s12], $0x400  }
0x1f4: {  	s7 =	sadd.s32 $0x4000, s7;
	[sflag:s12] =	ssyncset.done $0x0  }
.LBB2_20:
0x1f5: {  	s1 =	sshrl.u32 s7, $0x3  }
0x1f6: {  	[sflag:s12] =	ssyncadd.s32 @p1 $0xFFFFFC00;
	s2 =	sadd.s32 s9, s1  }
0x1f7: {  	[tilespmem:s16], [sflag:$0x6] =	stream.linear.gather [hbm4b:s2+s5], $0x80, $0x38;
	[tilespmem:$0x18080] =	vst v63  }
0x1f8: {  	s4 =	sadd.s32 $0x80, s2  }
0x1f9: {  	[tilespmem:s17], [sflag:$0x6] =	stream.linear.gather [hbm4b:s4+s5], $0x80, $0x38;
	[tilespmem:$0x18080] =	vst v63  }
0x1fa: {  	s7 =	sadd.s32 $0x100, s2  }
0x1fb: {  	[tilespmem:s18], [sflag:$0x6] =	stream.linear.gather [hbm4b:s7+s5], $0x80, $0x38;
	[tilespmem:$0x18080] =	vst v63  }
0x1fc: {  	s8 =	sadd.s32 $0x180, s2  }
0x1fd: {  	[tilespmem:s19], [sflag:$0x6] =	stream.linear.gather [hbm4b:s8+s5], $0x80, $0x38;
	[tilespmem:$0x18080] =	vst v63  }
0x1fe: {  	s15 =	sadd.s32 $0x200, s2  }
0x1ff: {  	[tilespmem:s20], [sflag:$0x6] =	stream.linear.gather [hbm4b:s15+s5], $0x80, $0x38;
	[tilespmem:$0x18080] =	vst v63  }
0x200: {  	s25 =	sadd.s32 $0x280, s2  }
0x201: {  	[tilespmem:s21], [sflag:$0x6] =	stream.linear.gather [hbm4b:s25+s5], $0x80, $0x38;
	[tilespmem:$0x18080] =	vst v63  }
0x202: {  	s26 =	sadd.s32 $0x300, s2  }
0x203: {  	[tilespmem:s22], [sflag:$0x6] =	stream.linear.gather [hbm4b:s26+s5], $0x80, $0x38;
	[tilespmem:$0x18080] =	vst v63  }
0x204: {  	s2 =	sadd.s32 $0x380, s2  }
0x205: {  	[tilespmem:s23], [sflag:$0x6] =	stream.linear.gather [hbm4b:s2+s5], $0x80, $0x38;
	[tilespmem:$0x18080] =	vst v63  }
0x206: {  	_ =	swait.ge [sflag:s12], $0x400  }
0x207: {  	[sflag:s12] =	ssyncset.done $0x0  }
0x208: {  	s1 =	sadd.s32 s3, s1;
	[sflag:s12] =	ssyncadd.s32 $0xFFFFFC00  }
0x209: {  	[hbm4b:s1+s5] =	stream.linear.scatter [tilespmem:s16], [sflag:$0x6], $0x80, $0x38;
	[tilespmem:$0x18080] =	vst v63  }
0x20a: {  	s6 =	sadd.s32 $0x80, s1  }
0x20b: {  	[hbm4b:s6+s5] =	stream.linear.scatter [tilespmem:s17], [sflag:$0x6], $0x80, $0x38;
	[tilespmem:$0x18080] =	vst v63  }
0x20c: {  	s7 =	sadd.s32 $0x100, s1  }
0x20d: {  	[hbm4b:s7+s5] =	stream.linear.scatter [tilespmem:s18], [sflag:$0x6], $0x80, $0x38;
	[tilespmem:$0x18080] =	vst v63  }
0x20e: {  	s8 =	sadd.s32 $0x180, s1  }
0x20f: {  	[hbm4b:s8+s5] =	stream.linear.scatter [tilespmem:s19], [sflag:$0x6], $0x80, $0x38;
	[tilespmem:$0x18080] =	vst v63  }
0x210: {  	s15 =	sadd.s32 $0x200, s1  }
0x211: {  	[hbm4b:s15+s5] =	stream.linear.scatter [tilespmem:s20], [sflag:$0x6], $0x80, $0x38;
	[tilespmem:$0x18080] =	vst v63  }
0x212: {  	s25 =	sadd.s32 $0x280, s1  }
0x213: {  	[hbm4b:s25+s5] =	stream.linear.scatter [tilespmem:s21], [sflag:$0x6], $0x80, $0x38;
	[tilespmem:$0x18080] =	vst v63  }
0x214: {  	s26 =	sadd.s32 $0x300, s1  }
0x215: {  	[hbm4b:s26+s5] =	stream.linear.scatter [tilespmem:s22], [sflag:$0x6], $0x80, $0x38;
	[tilespmem:$0x18080] =	vst v63  }
0x216: {  	s1 =	sadd.s32 $0x380, s1  }
0x217: {  	[hbm4b:s1+s5] =	stream.linear.scatter [tilespmem:s23], [sflag:$0x6], $0x80, $0x38;
	[tilespmem:$0x18080] =	vst v63  }
0x218: {  	_ =	swait.ge [sflag:s12], $0x400  }
0x219: {  	[sflag:s12] =	ssyncset.done $0x0  }
0x21a: {  	[sflag:s12] =	ssyncadd.s32 $0xFFFFFC00  }
.LBB2_21:
0x21b: {  	s2 =	simm.s32 $0x0;
	s1 =	simm.s32 $0x0  }
0x21c: {  	s6 =	simm.s32 $0x0;
	s1 =	sand.u32 $0x6000, s1;
	s4 =	sand.u32 $0x1C00, s2  }
0x21d: {  	s6 =	sand.u32 $0x380, s6;
	s1 =	sor.u32 s4, s1  }
0x21e: {  	s26 =	sand.u32 $0x70, s2;
	s1 =	sor.u32 s1, s6  }
0x21f: {  	s1 =	sor.u32 s26, s1  }
0x220: {  	s7 =	simm.s32 $0x80;
	s4 =	simm.s32 $0x1;
	[tilespmem:s1+$0x80] =	vst v0  }
.LBB2_22:
0x221: {  	s1 =	sshll.u32 s4, $0x4;
	p1 =	sne.s32 s4, $0x7FF  }
0x222: {  	s6 =	smov.u32 s4;
	s4 =	sadd.s32 $0x1, s4;
	s8 =	sand.u32 $0x1C00, s7  }
.Ltmp21:
0x223: {  	s1 =	sand.u32 $0x6000, s1;
	s6 =	sshll.u32 s6, $0x1;
	(pc) =	sbr.rel @p1 .LBB2_22-.Ltmp21, $4  }
0x224: {  	s2 =	sadd.s32 $0x10, s2;
	s6 =	sand.u32 $0x380, s6;
	s1 =	sor.u32 s8, s1  }
0x225: {  	s8 =	sand.u32 $0x70, s2;
	s1 =	sor.u32 s1, s6  }
0x226: {  	s1 =	sor.u32 s8, s1  }
0x227: {  	s7 =	sadd.s32 $0x80, s7;
	[tilespmem:s1+$0x80] =	vst v0  }
0x228: {  	s7 =	ssub.s32 $0x800, s10;
	p1 =	sne.s32 s10, $0x800;
	s1 =	simm.s32 $0x1  }
0x229: {  	s2 =	sshra.s32 s7, $0x1F;
	s1 =	simm.s32 @!p1 $0x0  }
0x22a: {  	s4 =	sand.u32 $0x1F, s7;
	s1 =	sor.u32 s1, s2  }
0x22b: {  	p2 =	sne.s32 s4, $0x0;
	p6 =	sne.s32 s1, $0x1  }
0x22c: {  	s26 =	sshrl.u32 s2, $0x1B;
	p1 =	por !p2, !p6  }
0x22d: {  	s2 =	simm.s32 $0x1;
	s1 =	sadd.s32 s26, s7;
	p1 =	por !p1, !p1  }
0x22e: {  	s1 =	sshra.s32 s1, $0x5;
	s2 =	simm.s32 @!p1 $0x0  }
0x22f: {  	s25 =	smov.u32 s10;
	s10 =	ssub.s32 s1, s2  }
0x230: {  	p1 =	slt.s32 s10, $0x1  }
.Ltmp22:
0x231: {  	_ = 	snop;
	(pc) =	sbr.rel @p1 .LBB2_31-.Ltmp22, $1  }
0x232: {  	_ =	sdelay $0x3  }
0x233: {  	s1 =	sadd.s32 $0x800, s25  }
0x234: {  	s2 =	rddreg [dreg:$0x5];
	s1 =	sshll.u32 s1, $0xE  }
0x235: {  	s15 =	simm.s32 $0x0;
	s8 =	sor.u32 s2, s1  }
.LBB2_25:
0x236: {  	p1 =	slt.u32 s15, $0x8  }
0x237: {  	s2 =	sshll.u32 s15, $0x13;
	s1 =	simm.s32 @!p1 $0x5  }
0x238: {  	s2 =	sadd.s32 s8, s2;
	_ =	swait.ge @!p1 [sflag:s1], $0x8000  }
0x239: {  	s2 =	sshrl.u32 s2, $0x3;
	[sflag:s1] =	ssyncset.done @!p1 $0x0  }
0x23a: {  	s4 =	simm.s32 $0x80;
	s9 =	sadd.s32 s3, s2;
	[sflag:s1] =	ssyncadd.s32 @!p1 $0xFFFF8000  }
0x23b: {  	[hbm4b:s9+s13] =	stream.strided.scatter [tilespmem:s4], [sflag:$0x5], $0x400, s14, s13, $0x38;
	[tilespmem:$0x18080] =	vst v63  }
0x23c: {  	s6 =	simm.s32 $0x480;
	s2 =	sadd.s32 $0x80, s9  }
0x23d: {  	[hbm4b:s2+s13] =	stream.strided.scatter [tilespmem:s6], [sflag:$0x5], $0x400, s14, s13, $0x38;
	[tilespmem:$0x18080] =	vst v63  }
0x23e: {  	s11 =	simm.s32 $0x880;
	s26 =	sadd.s32 $0x100, s9;
	s1 =	sadd.s32 $0x380, s9  }
0x23f: {  	[hbm4b:s26+s13] =	stream.strided.scatter [tilespmem:s11], [sflag:$0x5], $0x400, s14, s13, $0x38;
	[tilespmem:$0x18080] =	vst v63  }
0x240: {  	s4 =	simm.s32 $0xC80;
	s6 =	sadd.s32 $0x180, s9;
	s2 =	simm.s32 $0x2000  }
0x241: {  	[hbm4b:s6+s13] =	stream.strided.scatter [tilespmem:s4], [sflag:$0x5], $0x400, s14, s13, $0x38;
	[tilespmem:$0x18080] =	vst v63  }
0x242: {  	s11 =	simm.s32 $0x1080;
	s26 =	sadd.s32 $0x200, s9;
	s4 =	simm.s32 $0x1480  }
0x243: {  	[hbm4b:s26+s13] =	stream.strided.scatter [tilespmem:s11], [sflag:$0x5], $0x400, s14, s13, $0x38;
	[tilespmem:$0x18080] =	vst v63  }
0x244: {  	s6 =	sadd.s32 $0x280, s9;
	s11 =	simm.s32 $0x1880;
	s26 =	sadd.s32 $0x300, s9  }
0x245: {  	[hbm4b:s6+s13] =	stream.strided.scatter [tilespmem:s4], [sflag:$0x5], $0x400, s14, s13, $0x38;
	[tilespmem:$0x18080] =	vst v63  }
0x246: {  	s9 =	sadd.s32 $0x4000, s9;
	s4 =	simm.s32 $0x10000;
	s6 =	simm.s32 $0x1C80  }
0x247: {  	[hbm4b:s26+s13] =	stream.strided.scatter [tilespmem:s11], [sflag:$0x5], $0x400, s14, s13, $0x38;
	[tilespmem:$0x18080] =	vst v63  }
.LBB2_26:
0x248: {  	[hbm4b:s1+s13] =	stream.strided.scatter [tilespmem:s6], [sflag:$0x5], $0x400, s14, s13, $0x38;
	[tilespmem:$0x18080] =	vst v63  }
0x249: {  	s1 =	smov.u32 s2;
	s2 =	smov.u32 s4  }
0x24a: {  	s11 =	sadd.s32 $0x8000, s4;
	s2 =	sshra.s32 s2, $0x2;
	s6 =	sadd.s32 $0x80, s1  }
0x24b: {  	[hbm4b:s9+s13] =	stream.strided.scatter [tilespmem:s6], [sflag:$0x5], $0x400, s14, s13, $0x38;
	[tilespmem:$0x18080] =	vst v63  }
0x24c: {  	p1 =	sne.s32 s4, $0x18000;
	s4 =	sadd.s32 $0x480, s1;
	s6 =	sadd.s32 $0x80, s9  }
0x24d: {  	[hbm4b:s6+s13] =	stream.strided.scatter [tilespmem:s4], [sflag:$0x5], $0x400, s14, s13, $0x38;
	[tilespmem:$0x18080] =	vst v63  }
0x24e: {  	s4 =	sadd.s32 $0x880, s1;
	s6 =	sadd.s32 $0x100, s9  }
0x24f: {  	[hbm4b:s6+s13] =	stream.strided.scatter [tilespmem:s4], [sflag:$0x5], $0x400, s14, s13, $0x38;
	[tilespmem:$0x18080] =	vst v63  }
0x250: {  	s4 =	sadd.s32 $0xC80, s1;
	s6 =	sadd.s32 $0x180, s9  }
0x251: {  	[hbm4b:s6+s13] =	stream.strided.scatter [tilespmem:s4], [sflag:$0x5], $0x400, s14, s13, $0x38;
	[tilespmem:$0x18080] =	vst v63  }
0x252: {  	s4 =	sadd.s32 $0x1080, s1;
	s6 =	sadd.s32 $0x200, s9  }
0x253: {  	[hbm4b:s6+s13] =	stream.strided.scatter [tilespmem:s4], [sflag:$0x5], $0x400, s14, s13, $0x38;
	[tilespmem:$0x18080] =	vst v63  }
0x254: {  	s4 =	sadd.s32 $0x1480, s1;
	s6 =	sadd.s32 $0x280, s9  }
0x255: {  	[hbm4b:s6+s13] =	stream.strided.scatter [tilespmem:s4], [sflag:$0x5], $0x400, s14, s13, $0x38;
	[tilespmem:$0x18080] =	vst v63  }
.Ltmp23:
0x256: {  	_ = 	snop;
	(pc) =	sbr.rel @p1 .LBB2_26-.Ltmp23, $4  }
0x257: {  	s4 =	sadd.s32 $0x1880, s1;
	s6 =	sadd.s32 $0x300, s9  }
0x258: {  	[hbm4b:s6+s13] =	stream.strided.scatter [tilespmem:s4], [sflag:$0x5], $0x400, s14, s13, $0x38;
	[tilespmem:$0x18080] =	vst v63  }
0x259: {  	s6 =	sadd.s32 $0x1C80, s1  }
0x25a: {  	s1 =	sadd.s32 $0x380, s9;
	s9 =	sadd.s32 $0x4000, s9;
	s4 =	smov.u32 s11  }
0x25b: {  	[hbm4b:s1+s13] =	stream.strided.scatter [tilespmem:s6], [sflag:$0x5], $0x400, s14, s13, $0x38;
	[tilespmem:$0x18080] =	vst v63  }
0x25c: {  	s11 =	sadd.s32 $0x80, s2  }
0x25d: {  	[hbm4b:s9+s13] =	stream.strided.scatter [tilespmem:s11], [sflag:$0x5], $0x400, s14, s13, $0x38;
	[tilespmem:$0x18080] =	vst v63  }
0x25e: {  	s26 =	sadd.s32 $0x480, s2;
	s4 =	sadd.s32 $0x80, s9  }
0x25f: {  	[hbm4b:s4+s13] =	stream.strided.scatter [tilespmem:s26], [sflag:$0x5], $0x400, s14, s13, $0x38;
	[tilespmem:$0x18080] =	vst v63  }
0x260: {  	s6 =	sadd.s32 $0x100, s9;
	s4 =	sadd.s32 $0x880, s2  }
0x261: {  	[hbm4b:s6+s13] =	stream.strided.scatter [tilespmem:s4], [sflag:$0x5], $0x400, s14, s13, $0x38;
	[tilespmem:$0x18080] =	vst v63  }
0x262: {  	s11 =	sadd.s32 $0xC80, s2;
	s26 =	sadd.s32 $0x180, s9  }
0x263: {  	[hbm4b:s26+s13] =	stream.strided.scatter [tilespmem:s11], [sflag:$0x5], $0x400, s14, s13, $0x38;
	[tilespmem:$0x18080] =	vst v63  }
0x264: {  	s15 =	sadd.s32 $0x1, s15;
	s4 =	sadd.s32 $0x1080, s2;
	s6 =	sadd.s32 $0x200, s9  }
0x265: {  	[hbm4b:s6+s13] =	stream.strided.scatter [tilespmem:s4], [sflag:$0x5], $0x400, s14, s13, $0x38;
	[tilespmem:$0x18080] =	vst v63  }
0x266: {  	p1 =	sne.s32 s15, s10;
	s11 =	sadd.s32 $0x1480, s2;
	s26 =	sadd.s32 $0x280, s9  }
0x267: {  	[hbm4b:s26+s13] =	stream.strided.scatter [tilespmem:s11], [sflag:$0x5], $0x400, s14, s13, $0x38;
	[tilespmem:$0x18080] =	vst v63  }
.Ltmp24:
0x268: {  	_ = 	snop;
	(pc) =	sbr.rel @p1 .LBB2_25-.Ltmp24, $4  }
0x269: {  	s4 =	sadd.s32 $0x1880, s2;
	s6 =	sadd.s32 $0x300, s9  }
0x26a: {  	[hbm4b:s6+s13] =	stream.strided.scatter [tilespmem:s4], [sflag:$0x5], $0x400, s14, s13, $0x38;
	[tilespmem:$0x18080] =	vst v63  }
0x26b: {  	s11 =	sadd.s32 $0x1C80, s2;
	s26 =	sadd.s32 $0x380, s9  }
0x26c: {  	[hbm4b:s26+s13] =	stream.strided.scatter [tilespmem:s11], [sflag:$0x5], $0x400, s14, s13, $0x38;
	[tilespmem:$0x18080] =	vst v63  }
0x26d: {  	s1 =	smin.u32 s10, $0x8  }
0x26e: {  	p1 =	sne.s32 s1, $0x1  }
.Ltmp25:
0x26f: {  	_ = 	snop;
	(pc) =	sbr.rel @!p1 .LBB2_30-.Ltmp25, $3  }
0x270: {  	_ =	sdelay $0x1  }
0x271: {  	_ =	swait.ge [sflag:s24], $0x8000  }
0x272: {  	s2 =	sadd.s32 $0xFFFFFFFF, s1;
	[sflag:s24] =	ssyncset.done $0x0  }
.LBB2_29:
0x273: {  	p1 =	sne.s32 s2, $0x1;
	s2 =	sadd.s32 $0xFFFFFFFF, s2;
	[sflag:s24] =	ssyncadd.s32 $0xFFFF8000  }
.Ltmp26:
0x274: {  	(pc) =	sbr.rel @p1 .LBB2_29-.Ltmp26, $3  }
0x275: {  	_ =	sdelay $0x1  }
0x276: {  	_ =	swait.ge [sflag:s24], $0x8000  }
0x277: {  	[sflag:s24] =	ssyncset.done $0x0  }
.LBB2_30:
0x278: {  	[sflag:s24] =	ssyncadd.s32 $0xFFFF8000  }
0x279: {  	s11 =	simm.s32 $0x880;
	s9 =	rddreg [dreg:$0x0]  }
.LBB2_31:
0x27a: {  	s1 =	sshll.u32 s10, $0x5  }
0x27b: {  	s4 =	ssub.s32 s7, s1  }
0x27c: {  	p1 =	slt.s32 s4, $0x1  }
.Ltmp27:
0x27d: {  	_ = 	snop;
	(pc) =	sbr.rel @p1 .LBB2_48-.Ltmp27, $2  }
0x27e: {  	_ =	sdelay $0x2  }
0x27f: {  	s2 =	rddreg [dreg:$0xb];
	s7 =	simm.s32 $0x480  }
0x280: {  	p2 =	seq.s32 s4, $0x1  }
.Ltmp28:
0x281: {  	_ = 	snop;
	(pc) =	sbr.rel @p2 .LBB2_35-.Ltmp28, $4  }
0x282: {  	_ = 	snop  }
0x283: {  	s1 =	sshll.u32 s10, $0x13;
	s2 =	rddreg [dreg:$0xa]  }
0x284: {  	s26 =	sshll.u32 s25, $0xE;
	s1 =	sadd.s32 s1, s2  }
0x285: {  	s4 =	sadd.s32 $0xFFFFFFFF, s4;
	p1 =	por $0x0, $0x0;
	s2 =	sadd.s32 s26, s1  }
0x286: {  	s1 =	sshrl.u32 s2, $0x3  }
0x287: {  	s1 =	sadd.s32 s3, s1  }
0x288: {  	[hbm4b:s1+s5] =	stream.linear.scatter [tilespmem:s13], [sflag:$0x6], $0x80, $0x38;
	[tilespmem:$0x18080] =	vst v63  }
0x289: {  	s6 =	sadd.s32 $0x80, s1  }
0x28a: {  	[hbm4b:s6+s5] =	stream.linear.scatter [tilespmem:s7], [sflag:$0x6], $0x80, $0x38;
	[tilespmem:$0x18080] =	vst v63  }
0x28b: {  	s8 =	sadd.s32 $0x100, s1  }
0x28c: {  	[hbm4b:s8+s5] =	stream.linear.scatter [tilespmem:s11], [sflag:$0x6], $0x80, $0x38;
	[tilespmem:$0x18080] =	vst v63  }
0x28d: {  	s10 =	sadd.s32 $0x180, s1  }
0x28e: {  	[hbm4b:s10+s5] =	stream.linear.scatter [tilespmem:s28], [sflag:$0x6], $0x80, $0x38;
	[tilespmem:$0x18080] =	vst v63  }
0x28f: {  	s15 =	sadd.s32 $0x200, s1  }
0x290: {  	[hbm4b:s15+s5] =	stream.linear.scatter [tilespmem:s29], [sflag:$0x6], $0x80, $0x38;
	[tilespmem:$0x18080] =	vst v63  }
0x291: {  	s25 =	sadd.s32 $0x280, s1  }
0x292: {  	[hbm4b:s25+s5] =	stream.linear.scatter [tilespmem:s30], [sflag:$0x6], $0x80, $0x38;
	[tilespmem:$0x18080] =	vst v63  }
0x293: {  	p2 =	seq.s32 s4, $0x1;
	s26 =	sadd.s32 $0x300, s1  }
0x294: {  	[hbm4b:s26+s5] =	stream.linear.scatter [tilespmem:s31], [sflag:$0x6], $0x80, $0x38;
	[tilespmem:$0x18080] =	vst v63  }
.Ltmp29:
0x295: {  	_ = 	snop;
	(pc) =	sbr.rel @p2 .LBB2_35-.Ltmp29, $4  }
0x296: {  	s1 =	sadd.s32 $0x380, s1  }
0x297: {  	[hbm4b:s1+s5] =	stream.linear.scatter [tilespmem:s0], [sflag:$0x6], $0x80, $0x38;
	[tilespmem:$0x18080] =	vst v63  }
0x298: {  	s4 =	sadd.s32 $0xFFFFFFFF, s4;
	_ =	swait.ge [sflag:s12], $0x400  }
0x299: {  	s2 =	sadd.s32 $0x4000, s2;
	p1 =	por $0x1, $0x1;
	[sflag:s12] =	ssyncset.done $0x0  }
.LBB2_34:
0x29a: {  	p2 =	seq.s32 s4, $0x1;
	s1 =	sshrl.u32 s2, $0x3;
	[sflag:s12] =	ssyncadd.s32 $0xFFFFFC00  }
0x29b: {  	s4 =	sadd.s32 $0xFFFFFFFF, s4;
	s1 =	sadd.s32 s3, s1  }
0x29c: {  	[hbm4b:s1+s5] =	stream.linear.scatter [tilespmem:s13], [sflag:$0x6], $0x80, $0x38;
	[tilespmem:$0x18080] =	vst v63  }
0x29d: {  	s6 =	sadd.s32 $0x80, s1  }
0x29e: {  	[hbm4b:s6+s5] =	stream.linear.scatter [tilespmem:s7], [sflag:$0x6], $0x80, $0x38;
	[tilespmem:$0x18080] =	vst v63  }
0x29f: {  	s6 =	sadd.s32 $0x100, s1  }
0x2a0: {  	[hbm4b:s6+s5] =	stream.linear.scatter [tilespmem:s11], [sflag:$0x6], $0x80, $0x38;
	[tilespmem:$0x18080] =	vst v63  }
0x2a1: {  	s6 =	sadd.s32 $0x180, s1  }
0x2a2: {  	[hbm4b:s6+s5] =	stream.linear.scatter [tilespmem:s28], [sflag:$0x6], $0x80, $0x38;
	[tilespmem:$0x18080] =	vst v63  }
0x2a3: {  	s6 =	sadd.s32 $0x200, s1  }
0x2a4: {  	[hbm4b:s6+s5] =	stream.linear.scatter [tilespmem:s29], [sflag:$0x6], $0x80, $0x38;
	[tilespmem:$0x18080] =	vst v63  }
0x2a5: {  	s6 =	sadd.s32 $0x280, s1  }
0x2a6: {  	[hbm4b:s6+s5] =	stream.linear.scatter [tilespmem:s30], [sflag:$0x6], $0x80, $0x38;
	[tilespmem:$0x18080] =	vst v63  }
0x2a7: {  	s6 =	sadd.s32 $0x300, s1  }
0x2a8: {  	[hbm4b:s6+s5] =	stream.linear.scatter [tilespmem:s31], [sflag:$0x6], $0x80, $0x38;
	[tilespmem:$0x18080] =	vst v63  }
.Ltmp30:
0x2a9: {  	_ = 	snop;
	(pc) =	sbr.rel @!p2 .LBB2_34-.Ltmp30, $4  }
0x2aa: {  	s1 =	sadd.s32 $0x380, s1  }
0x2ab: {  	[hbm4b:s1+s5] =	stream.linear.scatter [tilespmem:s0], [sflag:$0x6], $0x80, $0x38;
	[tilespmem:$0x18080] =	vst v63  }
0x2ac: {  	_ =	swait.ge [sflag:s12], $0x400  }
0x2ad: {  	s2 =	sadd.s32 $0x4000, s2;
	[sflag:s12] =	ssyncset.done $0x0  }
.Ltmp31:
0x2ae: {  	_ = 	snop;
	(pc) =	sbr.rel .LBB2_35-.Ltmp31, $1  }
0x2af: {  	_ =	sdelay $0x3  }
.LBB2_49:
0x2b0: {  	_ =	sfence.sel $0x180000  }
0x2b1: {  	[bflag:$0x0] =	sbarrier.arrive $0xFFFF  }
0x2b2: {  	_ =	strace $0x90000047  }
0x2b3: {  	s0 =	stileid.u32;
	[bflag:$0x2] =	sbarrier.arrive $0xFFFF  }
0x2b4: {  	p0 =	sne.s32 s0, $0x0;
	s0 =	rddreg [dreg:$0x4]  }
0x2b5: {  	s0 =	sadd.s32 @!p0 $0x100000, s0  }
0x2b6: {  	[sflag:s0] =	ssyncadd.tile.s32 @!p0 $0x1;
	_ =	shalt  }
.Lfunc_end2:
_tile_overlayer_lowered:
.L_overlay_start_2:
0x2b7: {  	(tag) =	ssettag $0x2  }
0x2b8: {  	s0 =	rddreg [dreg:$0x0];
	s2 =	stileid.u32  }
0x2b9: {  	s1 =	rddreg [dreg:$0x1];
	p0 =	sne.s32 s2, $0x0  }
0x2ba: {  	s3 =	rddreg [dreg:$0x2];
	[bflag:$0x3] =	sbarrier.arrive $0xFFFF;
	s2 =	simm.s32 @!p0 $0x1C06  }
0x2bb: {  	[timem:s3], [sflag:s2] =	dma.local @!p0 [hbm:s0], s1  }
0x2bc: {  	s0 =	simm.s32 @!p0 $0x6  }
0x2bd: {  	_ =	swait.ge @!p0 [sflag:s0], s1  }
0x2be: {  	s1 =	ssub.s32 @!p0 $0x0, s1;
	[sflag:s0] =	ssyncset.done @!p0 $0x0  }
0x2bf: {  	[sflag:s0] =	ssyncadd.s32 @!p0 s1  }
0x2c0: {  	[bflag:$0x3] =	sbarrier.arrive $0xFFFF  }
0x2c1: {  	_ =	shalt  }

</sc_bundles>
